<compile_context>
chip_gen: v7x
topology: tpu7x:2x2x1
jax: 0.10.2.dev20260603
libtpu: 0.0.44.dev20260713+nightly
codegen_flags: <defaults>
</compile_context>

<pallas_src>
import jax
import jax.numpy as jnp
from jax import lax
from jax.experimental import pallas as pl
from jax.experimental.pallas import tpu as pltpu
from jax.experimental.pallas import tpu_sc as plsc

_B = 4096
_D = 32
_NCARD = 200
_NCR = 16
_NACT = 50
_ADEPTH = 4
_R = _B * _NCARD

_NW = 32
_CH = 512
_NSUB = _CH // 128
_UNITS = _R // _CH // _NW
_IROWS = _UNITS * _NSUB


def _gather_body(kind):
  def body(idx_hbm, table_ref, out_ref,
           idx_all, g0, g1, gsem0, gsem1, osem0, osem1):
    wid = lax.axis_index("s") * 2 + lax.axis_index("c")
    ubase = wid * _UNITS
    irow0 = wid * _IROWS

    def fire_gathers(u, rows_v, gsem):
      for j in range(_NSUB):
        pltpu.async_copy(table_ref.at[idx_all.at[u * _NSUB + j]],
                         rows_v.at[pl.ds(j * 128, 128)], gsem)

    def drain_gathers(rows_v, gsem):
      pltpu.make_async_copy(table_ref.at[pl.ds(0, _CH)], rows_v, gsem).wait()

    def out_fn(u, rows_v, osem):
      g = ubase + u
      b0 = (g & 7) * _CH
      if kind == "card":
        return pltpu.async_copy(rows_v, out_ref.at[g >> 3, pl.ds(b0, _CH)],
                                osem)
      a = g >> 5
      d = (g >> 3) & 3
      return pltpu.async_copy(
          rows_v, out_ref.at[a, pl.ds(b0, _CH), pl.ds(d * _D, _D)], osem)

    pltpu.sync_copy(idx_hbm.at[pl.ds(irow0, _IROWS)], idx_all)
    fire_gathers(0, g0, gsem0)
    fire_gathers(1, g1, gsem1)

    def pair(i, carry):
      u = 2 * i
      drain_gathers(g0, gsem0)
      out_fn(u, g0, osem0).wait()
      fire_gathers(u + 2, g0, gsem0)
      drain_gathers(g1, gsem1)
      out_fn(u + 1, g1, osem1).wait()
      fire_gathers(u + 3, g1, gsem1)
      return carry

    lax.fori_loop(0, _UNITS // 2 - 1, pair, 0)
    drain_gathers(g0, gsem0)
    out_fn(_UNITS - 2, g0, osem0).wait()
    drain_gathers(g1, gsem1)
    out_fn(_UNITS - 1, g1, osem1).wait()

  return body


def _sc_gather(kind, out_shape, idx2, table):
  mesh = plsc.VectorSubcoreMesh(core_axis_name="c", subcore_axis_name="s",
                                num_cores=2, num_subcores=16)
  f = pl.kernel(
      _gather_body(kind),
      out_type=jax.ShapeDtypeStruct(out_shape, jnp.float32),
      mesh=mesh,
      compiler_params=pltpu.CompilerParams(use_tc_tiling_on_sc=False,
                                           needs_layout_passes=False),
      scratch_types=(
          pltpu.VMEM((_IROWS, 128), jnp.int32),
          pltpu.VMEM((_CH, _D), jnp.float32),
          pltpu.VMEM((_CH, _D), jnp.float32),
          pltpu.SemaphoreType.DMA,
          pltpu.SemaphoreType.DMA,
          pltpu.SemaphoreType.DMA,
          pltpu.SemaphoreType.DMA,
      ),
  )
  return f(idx2, table)


def _sc_call(cards2, acts2, table):
  card = _sc_gather("card", (_NCARD, _B, _D), cards2, table)
  act = _sc_gather("act", (_NACT, _B, _ADEPTH * _D), acts2, table)
  return card, act


def _card_tc_body(e_ref, n_ref, s_ref, b_ref, o_ref):
  emb = e_ref[0]
  ident = jnp.eye(_D, dtype=jnp.float32)
  o_ref[0, pl.ds(0, _D), :] = lax.dot_general(
      ident, emb, (((1,), (1,)), ((), ())),
      preferred_element_type=jnp.float32)
  o_ref[0, pl.ds(_D, _NCR), :] = n_ref[0] * s_ref[...] + b_ref[...]


def _card_tc(card_embed_t, nums_t, scale, bias):
  return pl.pallas_call(
      _card_tc_body,
      grid=(_NCARD,),
      in_specs=[
          pl.BlockSpec((1, _B, _D), lambda c: (c, 0, 0)),
          pl.BlockSpec((1, _NCR, _B), lambda c: (c, 0, 0)),
          pl.BlockSpec((_NCR, 1), lambda c: (0, 0)),
          pl.BlockSpec((_NCR, 1), lambda c: (0, 0)),
      ],
      out_specs=pl.BlockSpec((1, _D + _NCR, _B), lambda c: (c, 0, 0)),
      out_shape=jax.ShapeDtypeStruct((_NCARD, _D + _NCR, _B), jnp.float32),
  )(card_embed_t, nums_t, scale, bias)


def _reals_body(r_ref, a_ref, v_ref, o_ref):
  o_ref[...] = (r_ref[...] - a_ref[...]) / jnp.sqrt(v_ref[...])


def _reals_norm(reals, avg, var):
  return pl.pallas_call(
      _reals_body,
      out_shape=jax.ShapeDtypeStruct(reals.shape, reals.dtype),
  )(reals, avg, var)


def kernel(reals, cardIDs, card_nums, actionIDs, action_mask,
           embed_table, avg_reals, var_reals, avg_cards, var_cards):
  cards2 = cardIDs.astype(jnp.int32).T.reshape(_R // 128, 128)
  acts2 = actionIDs.astype(jnp.int32).transpose(1, 2, 0).reshape(_R // 128, 128)
  nums_t = card_nums.transpose(1, 2, 0)
  scale = (1.0 / jnp.sqrt(var_cards)).reshape(_NCR, 1)
  bias = (-avg_cards).reshape(_NCR, 1) * scale
  card_embed_t, act_out = _sc_call(cards2, acts2, embed_table)
  card_out = _card_tc(card_embed_t, nums_t, scale, bias)
  reals_n = _reals_norm(reals, avg_reals, var_reals)
  card_all = card_out.transpose(2, 0, 1)
  action_embed = act_out.transpose(1, 0, 2)
  return (reals_n, card_all, action_embed, action_mask)

# --- scband reference (transcript-rebuilt; emitter-appended) ---
"""Pipeline reference for scband-preparer-36344013258777 (READ-ONLY COPY).

The authoritative reference and input builder live on the scoring server;
editing this copy changes nothing except your own understanding.
"""

import jax, jax.numpy as jnp
import numpy as np

B = 4096
V = 1000000
D = 32
NUM_REALS = 100
N_CARDS = 200
NUM_CARD_REALS = 16
N_ACTIONS = 50
ACT_DEPTH = 4


def setup_inputs(seed: int = 0) -> dict:
    key = jax.random.key(seed)
    ks = jax.random.split(key, 6)
    return {
        "reals": jax.random.normal(ks[0], (B, NUM_REALS), dtype=jnp.float32),
        "cardIDs": jax.random.randint(ks[1], (B, N_CARDS), 0, V, dtype=jnp.int64 if jax.config.read('jax_enable_x64') else jnp.int32),
        "card_nums": jax.random.normal(ks[2], (B, N_CARDS, NUM_CARD_REALS), dtype=jnp.float32),
        "actionIDs": jax.random.randint(ks[3], (B, N_ACTIONS, ACT_DEPTH), 0, V, dtype=jnp.int64 if jax.config.read('jax_enable_x64') else jnp.int32),
        "action_mask": jax.random.uniform(ks[4], (B, N_ACTIONS), dtype=jnp.float32),
        # learned / registered parameters
        "embed_table": jax.random.normal(ks[5], (V, D), dtype=jnp.float32) * 0.02,
        "avg_reals": jnp.zeros((1, NUM_REALS), dtype=jnp.float32),
        "var_reals": jnp.ones((1, NUM_REALS), dtype=jnp.float32),
        "avg_cards": jnp.zeros((1, 1, NUM_CARD_REALS), dtype=jnp.float32),
        "var_cards": jnp.ones((1, 1, NUM_CARD_REALS), dtype=jnp.float32),
    }


def reference(reals, cardIDs, card_nums, actionIDs, action_mask,
              embed_table, avg_reals, var_reals, avg_cards, var_cards):
    # InputNorm (eval path: batch > 1 so no running-stat update)
    reals_n = (reals - avg_reals) / jnp.sqrt(var_reals)
    # card embedding lookup
    card_embed = jnp.take(embed_table, cardIDs, axis=0)  # [B, N_CARDS, D]
    # card numeric features norm (card_nums.shape[1] != 0 branch)
    card_nums_n = (card_nums - avg_cards) / jnp.sqrt(var_cards)
    card_all = jnp.concatenate([card_embed, card_nums_n], axis=2)  # [B, N_CARDS, D+NUM_CARD_REALS]
    # action embedding lookup + flatten last two dims
    action_embed = jnp.take(embed_table, actionIDs, axis=0)  # [B, N_ACTIONS, ACT_DEPTH, D]
    s = action_embed.shape
    action_embed = action_embed.reshape(s[0], s[1], s[2] * s[3])
    return (reals_n, card_all, action_embed, action_mask)

if __name__ == "__main__":
    import jax
    _d = setup_inputs()
    print(jax.jit(kernel)(*tuple(_d.values())))

</pallas_src>

<mosaic_0001>
#map = affine_map<(d0, d1) -> (0, 0)>
#map1 = affine_map<(d0, d1) -> (0, 0, 0)>
module attributes {stable_mosaic.version = 14 : i64} {
  func.func @body(%arg0: i32, %arg1: i32, %arg2: memref<6400x128xi32, #tpu.memory_space<hbm>>, %arg3: memref<1000000x32xf32, #tpu.memory_space<hbm>>, %arg4: memref<50x4096x128xf32, #tpu.memory_space<hbm>>, %arg5: memref<200x128xi32, #tpu.memory_space<vmem>>, %arg6: memref<512x32xf32, #tpu.memory_space<vmem>>, %arg7: memref<512x32xf32, #tpu.memory_space<vmem>>, %arg8: memref<!tpu.dma_semaphore, #tpu.memory_space<semaphore_mem>>, %arg9: memref<!tpu.dma_semaphore, #tpu.memory_space<semaphore_mem>>, %arg10: memref<!tpu.dma_semaphore, #tpu.memory_space<semaphore_mem>>, %arg11: memref<!tpu.dma_semaphore, #tpu.memory_space<semaphore_mem>>) attributes {dimension_semantics = [#tpu.dimension_semantics<core_parallel>, #tpu.dimension_semantics<subcore_parallel>], iteration_bounds = array<i64: 2, 16>, scalar_prefetch = 0 : i64, scratch_operands = 7 : i64, tpu.core_type = #tpu.core_type<sc_vector_subcore>, window_params = [{transform_indices = #map}, {transform_indices = #map}, {transform_indices = #map1}]} {
    %mul3A = arith.constant 2 : i32
    %mul3A_0 = arith.muli %arg1, %mul3A : i32
    %add3A = arith.addi %mul3A_0, %arg0 : i32
    %mul3A_1 = arith.constant 50 : i32
    %mul3A_2 = arith.muli %add3A, %mul3A_1 : i32
    %mul3A_3 = arith.constant 200 : i32
    %mul3A_4 = arith.muli %add3A, %mul3A_3 : i32
    "tpu.region"() ({
      %run_scoped3A = tpu.sem_alloc : memref<!tpu.dma_semaphore, #tpu.memory_space<semaphore_mem>>
      %dma_start3A_142 = arith.constant 0 : i32
      %dma_start3A_143 = tpu.memref_slice %arg2[%mul3A_4, %dma_start3A_142] : memref<6400x128xi32, #tpu.memory_space<hbm>> -> memref<200x128xi32, #tpu.memory_space<hbm>>
      %dma_start3A_144 = arith.constant 0 : i32
      %dma_start3A_145 = tpu.memref_slice %arg2[%mul3A_4, %dma_start3A_144] : memref<6400x128xi32, #tpu.memory_space<hbm>> -> memref<200x128xi32, #tpu.memory_space<hbm>>
      tpu.enqueue_dma source(%dma_start3A_145 : memref<200x128xi32, #tpu.memory_space<hbm>>) target(%arg5 : memref<200x128xi32, #tpu.memory_space<vmem>>) target_semaphore(%run_scoped3A : memref<!tpu.dma_semaphore, #tpu.memory_space<semaphore_mem>>)
      %dma_wait3A_146 = arith.constant 0 : i32
      %dma_wait3A_147 = tpu.memref_slice %arg2[%mul3A_4, %dma_wait3A_146] : memref<6400x128xi32, #tpu.memory_space<hbm>> -> memref<200x128xi32, #tpu.memory_space<hbm>>
      %dma_wait3A_148 = arith.constant 0 : i32
      %dma_wait3A_149 = tpu.memref_slice %arg2[%mul3A_4, %dma_wait3A_148] : memref<6400x128xi32, #tpu.memory_space<hbm>> -> memref<200x128xi32, #tpu.memory_space<hbm>>
      tpu.wait_dma2 semaphore(%run_scoped3A : memref<!tpu.dma_semaphore, #tpu.memory_space<semaphore_mem>>) src(%dma_wait3A_149 : memref<200x128xi32, #tpu.memory_space<hbm>>) dst(%arg5 : memref<200x128xi32, #tpu.memory_space<vmem>>)
      tpu.yield
    }) : () -> ()
    %dma_start3A = arith.constant 0 : i32
    %dma_start3A_5 = arith.constant 0 : i32
    %dma_start3A_6 = arith.constant 0 : i32
    %dma_start3A_7 = tpu.memref_slice %arg6[%dma_start3A_5, %dma_start3A_6] : memref<512x32xf32, #tpu.memory_space<vmem>> -> memref<128x32xf32, #tpu.memory_space<vmem>>
    %dma_start3A_8 = arith.constant 0 : i32
    %dma_start3A_9 = tpu.memref_slice %arg5[%dma_start3A, %dma_start3A_8] : memref<200x128xi32, #tpu.memory_space<vmem>> -> memref<1x128xi32, #tpu.memory_space<vmem>>
    %dma_start3A_10 = tpu.memref_squeeze %dma_start3A_9 : memref<1x128xi32, #tpu.memory_space<vmem>> -> memref<128xi32, #tpu.memory_space<vmem>>
    %dma_start3A_11 = arith.constant 0 : i32
    %dma_start3A_12 = arith.constant 0 : i32
    %dma_start3A_13 = tpu.memref_slice %arg3[%dma_start3A_11, %dma_start3A_12] : memref<1000000x32xf32, #tpu.memory_space<hbm>> -> memref<1000000x32xf32, #tpu.memory_space<hbm>>
    tpu.enqueue_indirect_dma source(%dma_start3A_13 : memref<1000000x32xf32, #tpu.memory_space<hbm>>) target(%dma_start3A_7 : memref<128x32xf32, #tpu.memory_space<vmem>>) offsets(%dma_start3A_10 : memref<128xi32, #tpu.memory_space<vmem>>) semaphore(%arg8 : memref<!tpu.dma_semaphore, #tpu.memory_space<semaphore_mem>>)
    %dma_start3A_14 = arith.constant 1 : i32
    %dma_start3A_15 = arith.constant 128 : i32
    %dma_start3A_16 = arith.constant 0 : i32
    %dma_start3A_17 = tpu.memref_slice %arg6[%dma_start3A_15, %dma_start3A_16] : memref<512x32xf32, #tpu.memory_space<vmem>> -> memref<128x32xf32, #tpu.memory_space<vmem>>
    %dma_start3A_18 = arith.constant 0 : i32
    %dma_start3A_19 = tpu.memref_slice %arg5[%dma_start3A_14, %dma_start3A_18] : memref<200x128xi32, #tpu.memory_space<vmem>> -> memref<1x128xi32, #tpu.memory_space<vmem>>
    %dma_start3A_20 = tpu.memref_squeeze %dma_start3A_19 : memref<1x128xi32, #tpu.memory_space<vmem>> -> memref<128xi32, #tpu.memory_space<vmem>>
    %dma_start3A_21 = arith.constant 0 : i32
    %dma_start3A_22 = arith.constant 0 : i32
    %dma_start3A_23 = tpu.memref_slice %arg3[%dma_start3A_21, %dma_start3A_22] : memref<1000000x32xf32, #tpu.memory_space<hbm>> -> memref<1000000x32xf32, #tpu.memory_space<hbm>>
    tpu.enqueue_indirect_dma source(%dma_start3A_23 : memref<1000000x32xf32, #tpu.memory_space<hbm>>) target(%dma_start3A_17 : memref<128x32xf32, #tpu.memory_space<vmem>>) offsets(%dma_start3A_20 : memref<128xi32, #tpu.memory_space<vmem>>) semaphore(%arg8 : memref<!tpu.dma_semaphore, #tpu.memory_space<semaphore_mem>>)
    %dma_start3A_24 = arith.constant 2 : i32
    %dma_start3A_25 = arith.constant 256 : i32
    %dma_start3A_26 = arith.constant 0 : i32
    %dma_start3A_27 = tpu.memref_slice %arg6[%dma_start3A_25, %dma_start3A_26] : memref<512x32xf32, #tpu.memory_space<vmem>> -> memref<128x32xf32, #tpu.memory_space<vmem>>
    %dma_start3A_28 = arith.constant 0 : i32
    %dma_start3A_29 = tpu.memref_slice %arg5[%dma_start3A_24, %dma_start3A_28] : memref<200x128xi32, #tpu.memory_space<vmem>> -> memref<1x128xi32, #tpu.memory_space<vmem>>
    %dma_start3A_30 = tpu.memref_squeeze %dma_start3A_29 : memref<1x128xi32, #tpu.memory_space<vmem>> -> memref<128xi32, #tpu.memory_space<vmem>>
    %dma_start3A_31 = arith.constant 0 : i32
    %dma_start3A_32 = arith.constant 0 : i32
    %dma_start3A_33 = tpu.memref_slice %arg3[%dma_start3A_31, %dma_start3A_32] : memref<1000000x32xf32, #tpu.memory_space<hbm>> -> memref<1000000x32xf32, #tpu.memory_space<hbm>>
    tpu.enqueue_indirect_dma source(%dma_start3A_33 : memref<1000000x32xf32, #tpu.memory_space<hbm>>) target(%dma_start3A_27 : memref<128x32xf32, #tpu.memory_space<vmem>>) offsets(%dma_start3A_30 : memref<128xi32, #tpu.memory_space<vmem>>) semaphore(%arg8 : memref<!tpu.dma_semaphore, #tpu.memory_space<semaphore_mem>>)
    %dma_start3A_34 = arith.constant 3 : i32
    %dma_start3A_35 = arith.constant 384 : i32
    %dma_start3A_36 = arith.constant 0 : i32
    %dma_start3A_37 = tpu.memref_slice %arg6[%dma_start3A_35, %dma_start3A_36] : memref<512x32xf32, #tpu.memory_space<vmem>> -> memref<128x32xf32, #tpu.memory_space<vmem>>
    %dma_start3A_38 = arith.constant 0 : i32
    %dma_start3A_39 = tpu.memref_slice %arg5[%dma_start3A_34, %dma_start3A_38] : memref<200x128xi32, #tpu.memory_space<vmem>> -> memref<1x128xi32, #tpu.memory_space<vmem>>
    %dma_start3A_40 = tpu.memref_squeeze %dma_start3A_39 : memref<1x128xi32, #tpu.memory_space<vmem>> -> memref<128xi32, #tpu.memory_space<vmem>>
    %dma_start3A_41 = arith.constant 0 : i32
    %dma_start3A_42 = arith.constant 0 : i32
    %dma_start3A_43 = tpu.memref_slice %arg3[%dma_start3A_41, %dma_start3A_42] : memref<1000000x32xf32, #tpu.memory_space<hbm>> -> memref<1000000x32xf32, #tpu.memory_space<hbm>>
    tpu.enqueue_indirect_dma source(%dma_start3A_43 : memref<1000000x32xf32, #tpu.memory_space<hbm>>) target(%dma_start3A_37 : memref<128x32xf32, #tpu.memory_space<vmem>>) offsets(%dma_start3A_40 : memref<128xi32, #tpu.memory_space<vmem>>) semaphore(%arg8 : memref<!tpu.dma_semaphore, #tpu.memory_space<semaphore_mem>>)
    %dma_start3A_44 = arith.constant 4 : i32
    %dma_start3A_45 = arith.constant 0 : i32
    %dma_start3A_46 = arith.constant 0 : i32
    %dma_start3A_47 = tpu.memref_slice %arg7[%dma_start3A_45, %dma_start3A_46] : memref<512x32xf32, #tpu.memory_space<vmem>> -> memref<128x32xf32, #tpu.memory_space<vmem>>
    %dma_start3A_48 = arith.constant 0 : i32
    %dma_start3A_49 = tpu.memref_slice %arg5[%dma_start3A_44, %dma_start3A_48] : memref<200x128xi32, #tpu.memory_space<vmem>> -> memref<1x128xi32, #tpu.memory_space<vmem>>
    %dma_start3A_50 = tpu.memref_squeeze %dma_start3A_49 : memref<1x128xi32, #tpu.memory_space<vmem>> -> memref<128xi32, #tpu.memory_space<vmem>>
    %dma_start3A_51 = arith.constant 0 : i32
    %dma_start3A_52 = arith.constant 0 : i32
    %dma_start3A_53 = tpu.memref_slice %arg3[%dma_start3A_51, %dma_start3A_52] : memref<1000000x32xf32, #tpu.memory_space<hbm>> -> memref<1000000x32xf32, #tpu.memory_space<hbm>>
    tpu.enqueue_indirect_dma source(%dma_start3A_53 : memref<1000000x32xf32, #tpu.memory_space<hbm>>) target(%dma_start3A_47 : memref<128x32xf32, #tpu.memory_space<vmem>>) offsets(%dma_start3A_50 : memref<128xi32, #tpu.memory_space<vmem>>) semaphore(%arg9 : memref<!tpu.dma_semaphore, #tpu.memory_space<semaphore_mem>>)
    %dma_start3A_54 = arith.constant 5 : i32
    %dma_start3A_55 = arith.constant 128 : i32
    %dma_start3A_56 = arith.constant 0 : i32
    %dma_start3A_57 = tpu.memref_slice %arg7[%dma_start3A_55, %dma_start3A_56] : memref<512x32xf32, #tpu.memory_space<vmem>> -> memref<128x32xf32, #tpu.memory_space<vmem>>
    %dma_start3A_58 = arith.constant 0 : i32
    %dma_start3A_59 = tpu.memref_slice %arg5[%dma_start3A_54, %dma_start3A_58] : memref<200x128xi32, #tpu.memory_space<vmem>> -> memref<1x128xi32, #tpu.memory_space<vmem>>
    %dma_start3A_60 = tpu.memref_squeeze %dma_start3A_59 : memref<1x128xi32, #tpu.memory_space<vmem>> -> memref<128xi32, #tpu.memory_space<vmem>>
    %dma_start3A_61 = arith.constant 0 : i32
    %dma_start3A_62 = arith.constant 0 : i32
    %dma_start3A_63 = tpu.memref_slice %arg3[%dma_start3A_61, %dma_start3A_62] : memref<1000000x32xf32, #tpu.memory_space<hbm>> -> memref<1000000x32xf32, #tpu.memory_space<hbm>>
    tpu.enqueue_indirect_dma source(%dma_start3A_63 : memref<1000000x32xf32, #tpu.memory_space<hbm>>) target(%dma_start3A_57 : memref<128x32xf32, #tpu.memory_space<vmem>>) offsets(%dma_start3A_60 : memref<128xi32, #tpu.memory_space<vmem>>) semaphore(%arg9 : memref<!tpu.dma_semaphore, #tpu.memory_space<semaphore_mem>>)
    %dma_start3A_64 = arith.constant 6 : i32
    %dma_start3A_65 = arith.constant 256 : i32
    %dma_start3A_66 = arith.constant 0 : i32
    %dma_start3A_67 = tpu.memref_slice %arg7[%dma_start3A_65, %dma_start3A_66] : memref<512x32xf32, #tpu.memory_space<vmem>> -> memref<128x32xf32, #tpu.memory_space<vmem>>
    %dma_start3A_68 = arith.constant 0 : i32
    %dma_start3A_69 = tpu.memref_slice %arg5[%dma_start3A_64, %dma_start3A_68] : memref<200x128xi32, #tpu.memory_space<vmem>> -> memref<1x128xi32, #tpu.memory_space<vmem>>
    %dma_start3A_70 = tpu.memref_squeeze %dma_start3A_69 : memref<1x128xi32, #tpu.memory_space<vmem>> -> memref<128xi32, #tpu.memory_space<vmem>>
    %dma_start3A_71 = arith.constant 0 : i32
    %dma_start3A_72 = arith.constant 0 : i32
    %dma_start3A_73 = tpu.memref_slice %arg3[%dma_start3A_71, %dma_start3A_72] : memref<1000000x32xf32, #tpu.memory_space<hbm>> -> memref<1000000x32xf32, #tpu.memory_space<hbm>>
    tpu.enqueue_indirect_dma source(%dma_start3A_73 : memref<1000000x32xf32, #tpu.memory_space<hbm>>) target(%dma_start3A_67 : memref<128x32xf32, #tpu.memory_space<vmem>>) offsets(%dma_start3A_70 : memref<128xi32, #tpu.memory_space<vmem>>) semaphore(%arg9 : memref<!tpu.dma_semaphore, #tpu.memory_space<semaphore_mem>>)
    %dma_start3A_74 = arith.constant 7 : i32
    %dma_start3A_75 = arith.constant 384 : i32
    %dma_start3A_76 = arith.constant 0 : i32
    %dma_start3A_77 = tpu.memref_slice %arg7[%dma_start3A_75, %dma_start3A_76] : memref<512x32xf32, #tpu.memory_space<vmem>> -> memref<128x32xf32, #tpu.memory_space<vmem>>
    %dma_start3A_78 = arith.constant 0 : i32
    %dma_start3A_79 = tpu.memref_slice %arg5[%dma_start3A_74, %dma_start3A_78] : memref<200x128xi32, #tpu.memory_space<vmem>> -> memref<1x128xi32, #tpu.memory_space<vmem>>
    %dma_start3A_80 = tpu.memref_squeeze %dma_start3A_79 : memref<1x128xi32, #tpu.memory_space<vmem>> -> memref<128xi32, #tpu.memory_space<vmem>>
    %dma_start3A_81 = arith.constant 0 : i32
    %dma_start3A_82 = arith.constant 0 : i32
    %dma_start3A_83 = tpu.memref_slice %arg3[%dma_start3A_81, %dma_start3A_82] : memref<1000000x32xf32, #tpu.memory_space<hbm>> -> memref<1000000x32xf32, #tpu.memory_space<hbm>>
    tpu.enqueue_indirect_dma source(%dma_start3A_83 : memref<1000000x32xf32, #tpu.memory_space<hbm>>) target(%dma_start3A_77 : memref<128x32xf32, #tpu.memory_space<vmem>>) offsets(%dma_start3A_80 : memref<128xi32, #tpu.memory_space<vmem>>) semaphore(%arg9 : memref<!tpu.dma_semaphore, #tpu.memory_space<semaphore_mem>>)
    %scan3A = arith.constant 0 : i32
    %scan3A_84 = arith.constant 0 : i32
    %scan3A_85 = arith.constant 24 : i32
    %scan3A_86 = arith.addi %scan3A_84, %scan3A_85 : i32
    %scan3A_87 = arith.constant 1 : i32
    scf.for %scan3A_142 = %scan3A_84 to %scan3A_86 step %scan3A_87  : i32 {
      %mul3A_143 = arith.constant 2 : i32
      %mul3A_144 = arith.muli %mul3A_143, %scan3A_142 : i32
      %dma_wait3A_145 = arith.constant 0 : i32
      %dma_wait3A_146 = arith.constant 0 : i32
      %dma_wait3A_147 = tpu.memref_slice %arg3[%dma_wait3A_145, %dma_wait3A_146] : memref<1000000x32xf32, #tpu.memory_space<hbm>> -> memref<512x32xf32, #tpu.memory_space<hbm>>
      %dma_wait3A_148 = arith.constant 0 : i32
      %dma_wait3A_149 = arith.constant 0 : i32
      %dma_wait3A_150 = tpu.memref_slice %arg3[%dma_wait3A_148, %dma_wait3A_149] : memref<1000000x32xf32, #tpu.memory_space<hbm>> -> memref<512x32xf32, #tpu.memory_space<hbm>>
      tpu.wait_dma2 semaphore(%arg8 : memref<!tpu.dma_semaphore, #tpu.memory_space<semaphore_mem>>) src(%dma_wait3A_150 : memref<512x32xf32, #tpu.memory_space<hbm>>) dst(%arg6 : memref<512x32xf32, #tpu.memory_space<vmem>>)
      %add3A_151 = arith.addi %mul3A_2, %mul3A_144 : i32
      %and3A_152 = arith.constant 7 : i32
      %and3A_153 = arith.andi %add3A_151, %and3A_152 : i32
      %mul3A_154 = arith.constant 512 : i32
      %mul3A_155 = arith.muli %and3A_153, %mul3A_154 : i32
      %shift_right_arithmetic3A_156 = arith.constant 5 : i32
      %shift_right_arithmetic3A_157 = arith.shrsi %add3A_151, %shift_right_arithmetic3A_156 : i32
      %shift_right_arithmetic3A_158 = arith.constant 3 : i32
      %shift_right_arithmetic3A_159 = arith.shrsi %add3A_151, %shift_right_arithmetic3A_158 : i32
      %and3A_160 = arith.constant 3 : i32
      %and3A_161 = arith.andi %shift_right_arithmetic3A_159, %and3A_160 : i32
      %mul3A_162 = arith.constant 32 : i32
      %mul3A_163 = arith.muli %and3A_161, %mul3A_162 : i32
      %dma_start3A_164 = tpu.memref_slice %arg4[%shift_right_arithmetic3A_157, %mul3A_155, %mul3A_163] : memref<50x4096x128xf32, #tpu.memory_space<hbm>> -> memref<1x512x32xf32, #tpu.memory_space<hbm>>
      %dma_start3A_165 = tpu.memref_squeeze %dma_start3A_164 : memref<1x512x32xf32, #tpu.memory_space<hbm>> -> memref<512x32xf32, #tpu.memory_space<hbm>>
      %dma_start3A_166 = tpu.memref_slice %arg4[%shift_right_arithmetic3A_157, %mul3A_155, %mul3A_163] : memref<50x4096x128xf32, #tpu.memory_space<hbm>> -> memref<1x512x32xf32, #tpu.memory_space<hbm>>
      %dma_start3A_167 = tpu.memref_squeeze %dma_start3A_166 : memref<1x512x32xf32, #tpu.memory_space<hbm>> -> memref<512x32xf32, #tpu.memory_space<hbm>>
      tpu.enqueue_dma source(%arg6 : memref<512x32xf32, #tpu.memory_space<vmem>>) target(%dma_start3A_167 : memref<512x32xf32, #tpu.memory_space<hbm>>) target_semaphore(%arg10 : memref<!tpu.dma_semaphore, #tpu.memory_space<semaphore_mem>>)
      %dma_wait3A_168 = tpu.memref_slice %arg4[%shift_right_arithmetic3A_157, %mul3A_155, %mul3A_163] : memref<50x4096x128xf32, #tpu.memory_space<hbm>> -> memref<1x512x32xf32, #tpu.memory_space<hbm>>
      %dma_wait3A_169 = tpu.memref_squeeze %dma_wait3A_168 : memref<1x512x32xf32, #tpu.memory_space<hbm>> -> memref<512x32xf32, #tpu.memory_space<hbm>>
      %dma_wait3A_170 = tpu.memref_slice %arg4[%shift_right_arithmetic3A_157, %mul3A_155, %mul3A_163] : memref<50x4096x128xf32, #tpu.memory_space<hbm>> -> memref<1x512x32xf32, #tpu.memory_space<hbm>>
      %dma_wait3A_171 = tpu.memref_squeeze %dma_wait3A_170 : memref<1x512x32xf32, #tpu.memory_space<hbm>> -> memref<512x32xf32, #tpu.memory_space<hbm>>
      tpu.wait_dma2 semaphore(%arg10 : memref<!tpu.dma_semaphore, #tpu.memory_space<semaphore_mem>>) src(%arg6 : memref<512x32xf32, #tpu.memory_space<vmem>>) dst(%dma_wait3A_171 : memref<512x32xf32, #tpu.memory_space<hbm>>)
      %add3A_172 = arith.constant 2 : i32
      %add3A_173 = arith.addi %mul3A_144, %add3A_172 : i32
      %mul3A_174 = arith.constant 4 : i32
      %mul3A_175 = arith.muli %add3A_173, %mul3A_174 : i32
      %add3A_176 = arith.constant 0 : i32
      %add3A_177 = arith.addi %mul3A_175, %add3A_176 : i32
      %dma_start3A_178 = arith.constant 0 : i32
      %dma_start3A_179 = arith.constant 0 : i32
      %dma_start3A_180 = tpu.memref_slice %arg6[%dma_start3A_178, %dma_start3A_179] : memref<512x32xf32, #tpu.memory_space<vmem>> -> memref<128x32xf32, #tpu.memory_space<vmem>>
      %dma_start3A_181 = arith.constant 0 : i32
      %dma_start3A_182 = tpu.memref_slice %arg5[%add3A_177, %dma_start3A_181] : memref<200x128xi32, #tpu.memory_space<vmem>> -> memref<1x128xi32, #tpu.memory_space<vmem>>
      %dma_start3A_183 = tpu.memref_squeeze %dma_start3A_182 : memref<1x128xi32, #tpu.memory_space<vmem>> -> memref<128xi32, #tpu.memory_space<vmem>>
      %dma_start3A_184 = arith.constant 0 : i32
      %dma_start3A_185 = arith.constant 0 : i32
      %dma_start3A_186 = tpu.memref_slice %arg3[%dma_start3A_184, %dma_start3A_185] : memref<1000000x32xf32, #tpu.memory_space<hbm>> -> memref<1000000x32xf32, #tpu.memory_space<hbm>>
      tpu.enqueue_indirect_dma source(%dma_start3A_186 : memref<1000000x32xf32, #tpu.memory_space<hbm>>) target(%dma_start3A_180 : memref<128x32xf32, #tpu.memory_space<vmem>>) offsets(%dma_start3A_183 : memref<128xi32, #tpu.memory_space<vmem>>) semaphore(%arg8 : memref<!tpu.dma_semaphore, #tpu.memory_space<semaphore_mem>>)
      %mul3A_187 = arith.constant 4 : i32
      %mul3A_188 = arith.muli %add3A_173, %mul3A_187 : i32
      %add3A_189 = arith.constant 1 : i32
      %add3A_190 = arith.addi %mul3A_188, %add3A_189 : i32
      %dma_start3A_191 = arith.constant 128 : i32
      %dma_start3A_192 = arith.constant 0 : i32
      %dma_start3A_193 = tpu.memref_slice %arg6[%dma_start3A_191, %dma_start3A_192] : memref<512x32xf32, #tpu.memory_space<vmem>> -> memref<128x32xf32, #tpu.memory_space<vmem>>
      %dma_start3A_194 = arith.constant 0 : i32
      %dma_start3A_195 = tpu.memref_slice %arg5[%add3A_190, %dma_start3A_194] : memref<200x128xi32, #tpu.memory_space<vmem>> -> memref<1x128xi32, #tpu.memory_space<vmem>>
      %dma_start3A_196 = tpu.memref_squeeze %dma_start3A_195 : memref<1x128xi32, #tpu.memory_space<vmem>> -> memref<128xi32, #tpu.memory_space<vmem>>
      %dma_start3A_197 = arith.constant 0 : i32
      %dma_start3A_198 = arith.constant 0 : i32
      %dma_start3A_199 = tpu.memref_slice %arg3[%dma_start3A_197, %dma_start3A_198] : memref<1000000x32xf32, #tpu.memory_space<hbm>> -> memref<1000000x32xf32, #tpu.memory_space<hbm>>
      tpu.enqueue_indirect_dma source(%dma_start3A_199 : memref<1000000x32xf32, #tpu.memory_space<hbm>>) target(%dma_start3A_193 : memref<128x32xf32, #tpu.memory_space<vmem>>) offsets(%dma_start3A_196 : memref<128xi32, #tpu.memory_space<vmem>>) semaphore(%arg8 : memref<!tpu.dma_semaphore, #tpu.memory_space<semaphore_mem>>)
      %mul3A_200 = arith.constant 4 : i32
      %mul3A_201 = arith.muli %add3A_173, %mul3A_200 : i32
      %add3A_202 = arith.constant 2 : i32
      %add3A_203 = arith.addi %mul3A_201, %add3A_202 : i32
      %dma_start3A_204 = arith.constant 256 : i32
      %dma_start3A_205 = arith.constant 0 : i32
      %dma_start3A_206 = tpu.memref_slice %arg6[%dma_start3A_204, %dma_start3A_205] : memref<512x32xf32, #tpu.memory_space<vmem>> -> memref<128x32xf32, #tpu.memory_space<vmem>>
      %dma_start3A_207 = arith.constant 0 : i32
      %dma_start3A_208 = tpu.memref_slice %arg5[%add3A_203, %dma_start3A_207] : memref<200x128xi32, #tpu.memory_space<vmem>> -> memref<1x128xi32, #tpu.memory_space<vmem>>
      %dma_start3A_209 = tpu.memref_squeeze %dma_start3A_208 : memref<1x128xi32, #tpu.memory_space<vmem>> -> memref<128xi32, #tpu.memory_space<vmem>>
      %dma_start3A_210 = arith.constant 0 : i32
      %dma_start3A_211 = arith.constant 0 : i32
      %dma_start3A_212 = tpu.memref_slice %arg3[%dma_start3A_210, %dma_start3A_211] : memref<1000000x32xf32, #tpu.memory_space<hbm>> -> memref<1000000x32xf32, #tpu.memory_space<hbm>>
      tpu.enqueue_indirect_dma source(%dma_start3A_212 : memref<1000000x32xf32, #tpu.memory_space<hbm>>) target(%dma_start3A_206 : memref<128x32xf32, #tpu.memory_space<vmem>>) offsets(%dma_start3A_209 : memref<128xi32, #tpu.memory_space<vmem>>) semaphore(%arg8 : memref<!tpu.dma_semaphore, #tpu.memory_space<semaphore_mem>>)
      %mul3A_213 = arith.constant 4 : i32
      %mul3A_214 = arith.muli %add3A_173, %mul3A_213 : i32
      %add3A_215 = arith.constant 3 : i32
      %add3A_216 = arith.addi %mul3A_214, %add3A_215 : i32
      %dma_start3A_217 = arith.constant 384 : i32
      %dma_start3A_218 = arith.constant 0 : i32
      %dma_start3A_219 = tpu.memref_slice %arg6[%dma_start3A_217, %dma_start3A_218] : memref<512x32xf32, #tpu.memory_space<vmem>> -> memref<128x32xf32, #tpu.memory_space<vmem>>
      %dma_start3A_220 = arith.constant 0 : i32
      %dma_start3A_221 = tpu.memref_slice %arg5[%add3A_216, %dma_start3A_220] : memref<200x128xi32, #tpu.memory_space<vmem>> -> memref<1x128xi32, #tpu.memory_space<vmem>>
      %dma_start3A_222 = tpu.memref_squeeze %dma_start3A_221 : memref<1x128xi32, #tpu.memory_space<vmem>> -> memref<128xi32, #tpu.memory_space<vmem>>
      %dma_start3A_223 = arith.constant 0 : i32
      %dma_start3A_224 = arith.constant 0 : i32
      %dma_start3A_225 = tpu.memref_slice %arg3[%dma_start3A_223, %dma_start3A_224] : memref<1000000x32xf32, #tpu.memory_space<hbm>> -> memref<1000000x32xf32, #tpu.memory_space<hbm>>
      tpu.enqueue_indirect_dma source(%dma_start3A_225 : memref<1000000x32xf32, #tpu.memory_space<hbm>>) target(%dma_start3A_219 : memref<128x32xf32, #tpu.memory_space<vmem>>) offsets(%dma_start3A_222 : memref<128xi32, #tpu.memory_space<vmem>>) semaphore(%arg8 : memref<!tpu.dma_semaphore, #tpu.memory_space<semaphore_mem>>)
      %dma_wait3A_226 = arith.constant 0 : i32
      %dma_wait3A_227 = arith.constant 0 : i32
      %dma_wait3A_228 = tpu.memref_slice %arg3[%dma_wait3A_226, %dma_wait3A_227] : memref<1000000x32xf32, #tpu.memory_space<hbm>> -> memref<512x32xf32, #tpu.memory_space<hbm>>
      %dma_wait3A_229 = arith.constant 0 : i32
      %dma_wait3A_230 = arith.constant 0 : i32
      %dma_wait3A_231 = tpu.memref_slice %arg3[%dma_wait3A_229, %dma_wait3A_230] : memref<1000000x32xf32, #tpu.memory_space<hbm>> -> memref<512x32xf32, #tpu.memory_space<hbm>>
      tpu.wait_dma2 semaphore(%arg9 : memref<!tpu.dma_semaphore, #tpu.memory_space<semaphore_mem>>) src(%dma_wait3A_231 : memref<512x32xf32, #tpu.memory_space<hbm>>) dst(%arg7 : memref<512x32xf32, #tpu.memory_space<vmem>>)
      %add3A_232 = arith.constant 1 : i32
      %add3A_233 = arith.addi %mul3A_144, %add3A_232 : i32
      %add3A_234 = arith.addi %mul3A_2, %add3A_233 : i32
      %and3A_235 = arith.constant 7 : i32
      %and3A_236 = arith.andi %add3A_234, %and3A_235 : i32
      %mul3A_237 = arith.constant 512 : i32
      %mul3A_238 = arith.muli %and3A_236, %mul3A_237 : i32
      %shift_right_arithmetic3A_239 = arith.constant 5 : i32
      %shift_right_arithmetic3A_240 = arith.shrsi %add3A_234, %shift_right_arithmetic3A_239 : i32
      %shift_right_arithmetic3A_241 = arith.constant 3 : i32
      %shift_right_arithmetic3A_242 = arith.shrsi %add3A_234, %shift_right_arithmetic3A_241 : i32
      %and3A_243 = arith.constant 3 : i32
      %and3A_244 = arith.andi %shift_right_arithmetic3A_242, %and3A_243 : i32
      %mul3A_245 = arith.constant 32 : i32
      %mul3A_246 = arith.muli %and3A_244, %mul3A_245 : i32
      %dma_start3A_247 = tpu.memref_slice %arg4[%shift_right_arithmetic3A_240, %mul3A_238, %mul3A_246] : memref<50x4096x128xf32, #tpu.memory_space<hbm>> -> memref<1x512x32xf32, #tpu.memory_space<hbm>>
      %dma_start3A_248 = tpu.memref_squeeze %dma_start3A_247 : memref<1x512x32xf32, #tpu.memory_space<hbm>> -> memref<512x32xf32, #tpu.memory_space<hbm>>
      %dma_start3A_249 = tpu.memref_slice %arg4[%shift_right_arithmetic3A_240, %mul3A_238, %mul3A_246] : memref<50x4096x128xf32, #tpu.memory_space<hbm>> -> memref<1x512x32xf32, #tpu.memory_space<hbm>>
      %dma_start3A_250 = tpu.memref_squeeze %dma_start3A_249 : memref<1x512x32xf32, #tpu.memory_space<hbm>> -> memref<512x32xf32, #tpu.memory_space<hbm>>
      tpu.enqueue_dma source(%arg7 : memref<512x32xf32, #tpu.memory_space<vmem>>) target(%dma_start3A_250 : memref<512x32xf32, #tpu.memory_space<hbm>>) target_semaphore(%arg11 : memref<!tpu.dma_semaphore, #tpu.memory_space<semaphore_mem>>)
      %dma_wait3A_251 = tpu.memref_slice %arg4[%shift_right_arithmetic3A_240, %mul3A_238, %mul3A_246] : memref<50x4096x128xf32, #tpu.memory_space<hbm>> -> memref<1x512x32xf32, #tpu.memory_space<hbm>>
      %dma_wait3A_252 = tpu.memref_squeeze %dma_wait3A_251 : memref<1x512x32xf32, #tpu.memory_space<hbm>> -> memref<512x32xf32, #tpu.memory_space<hbm>>
      %dma_wait3A_253 = tpu.memref_slice %arg4[%shift_right_arithmetic3A_240, %mul3A_238, %mul3A_246] : memref<50x4096x128xf32, #tpu.memory_space<hbm>> -> memref<1x512x32xf32, #tpu.memory_space<hbm>>
      %dma_wait3A_254 = tpu.memref_squeeze %dma_wait3A_253 : memref<1x512x32xf32, #tpu.memory_space<hbm>> -> memref<512x32xf32, #tpu.memory_space<hbm>>
      tpu.wait_dma2 semaphore(%arg11 : memref<!tpu.dma_semaphore, #tpu.memory_space<semaphore_mem>>) src(%arg7 : memref<512x32xf32, #tpu.memory_space<vmem>>) dst(%dma_wait3A_254 : memref<512x32xf32, #tpu.memory_space<hbm>>)
      %add3A_255 = arith.constant 3 : i32
      %add3A_256 = arith.addi %mul3A_144, %add3A_255 : i32
      %mul3A_257 = arith.constant 4 : i32
      %mul3A_258 = arith.muli %add3A_256, %mul3A_257 : i32
      %add3A_259 = arith.constant 0 : i32
      %add3A_260 = arith.addi %mul3A_258, %add3A_259 : i32
      %dma_start3A_261 = arith.constant 0 : i32
      %dma_start3A_262 = arith.constant 0 : i32
      %dma_start3A_263 = tpu.memref_slice %arg7[%dma_start3A_261, %dma_start3A_262] : memref<512x32xf32, #tpu.memory_space<vmem>> -> memref<128x32xf32, #tpu.memory_space<vmem>>
      %dma_start3A_264 = arith.constant 0 : i32
      %dma_start3A_265 = tpu.memref_slice %arg5[%add3A_260, %dma_start3A_264] : memref<200x128xi32, #tpu.memory_space<vmem>> -> memref<1x128xi32, #tpu.memory_space<vmem>>
      %dma_start3A_266 = tpu.memref_squeeze %dma_start3A_265 : memref<1x128xi32, #tpu.memory_space<vmem>> -> memref<128xi32, #tpu.memory_space<vmem>>
      %dma_start3A_267 = arith.constant 0 : i32
      %dma_start3A_268 = arith.constant 0 : i32
      %dma_start3A_269 = tpu.memref_slice %arg3[%dma_start3A_267, %dma_start3A_268] : memref<1000000x32xf32, #tpu.memory_space<hbm>> -> memref<1000000x32xf32, #tpu.memory_space<hbm>>
      tpu.enqueue_indirect_dma source(%dma_start3A_269 : memref<1000000x32xf32, #tpu.memory_space<hbm>>) target(%dma_start3A_263 : memref<128x32xf32, #tpu.memory_space<vmem>>) offsets(%dma_start3A_266 : memref<128xi32, #tpu.memory_space<vmem>>) semaphore(%arg9 : memref<!tpu.dma_semaphore, #tpu.memory_space<semaphore_mem>>)
      %mul3A_270 = arith.constant 4 : i32
      %mul3A_271 = arith.muli %add3A_256, %mul3A_270 : i32
      %add3A_272 = arith.constant 1 : i32
      %add3A_273 = arith.addi %mul3A_271, %add3A_272 : i32
      %dma_start3A_274 = arith.constant 128 : i32
      %dma_start3A_275 = arith.constant 0 : i32
      %dma_start3A_276 = tpu.memref_slice %arg7[%dma_start3A_274, %dma_start3A_275] : memref<512x32xf32, #tpu.memory_space<vmem>> -> memref<128x32xf32, #tpu.memory_space<vmem>>
      %dma_start3A_277 = arith.constant 0 : i32
      %dma_start3A_278 = tpu.memref_slice %arg5[%add3A_273, %dma_start3A_277] : memref<200x128xi32, #tpu.memory_space<vmem>> -> memref<1x128xi32, #tpu.memory_space<vmem>>
      %dma_start3A_279 = tpu.memref_squeeze %dma_start3A_278 : memref<1x128xi32, #tpu.memory_space<vmem>> -> memref<128xi32, #tpu.memory_space<vmem>>
      %dma_start3A_280 = arith.constant 0 : i32
      %dma_start3A_281 = arith.constant 0 : i32
      %dma_start3A_282 = tpu.memref_slice %arg3[%dma_start3A_280, %dma_start3A_281] : memref<1000000x32xf32, #tpu.memory_space<hbm>> -> memref<1000000x32xf32, #tpu.memory_space<hbm>>
      tpu.enqueue_indirect_dma source(%dma_start3A_282 : memref<1000000x32xf32, #tpu.memory_space<hbm>>) target(%dma_start3A_276 : memref<128x32xf32, #tpu.memory_space<vmem>>) offsets(%dma_start3A_279 : memref<128xi32, #tpu.memory_space<vmem>>) semaphore(%arg9 : memref<!tpu.dma_semaphore, #tpu.memory_space<semaphore_mem>>)
      %mul3A_283 = arith.constant 4 : i32
      %mul3A_284 = arith.muli %add3A_256, %mul3A_283 : i32
      %add3A_285 = arith.constant 2 : i32
      %add3A_286 = arith.addi %mul3A_284, %add3A_285 : i32
      %dma_start3A_287 = arith.constant 256 : i32
      %dma_start3A_288 = arith.constant 0 : i32
      %dma_start3A_289 = tpu.memref_slice %arg7[%dma_start3A_287, %dma_start3A_288] : memref<512x32xf32, #tpu.memory_space<vmem>> -> memref<128x32xf32, #tpu.memory_space<vmem>>
      %dma_start3A_290 = arith.constant 0 : i32
      %dma_start3A_291 = tpu.memref_slice %arg5[%add3A_286, %dma_start3A_290] : memref<200x128xi32, #tpu.memory_space<vmem>> -> memref<1x128xi32, #tpu.memory_space<vmem>>
      %dma_start3A_292 = tpu.memref_squeeze %dma_start3A_291 : memref<1x128xi32, #tpu.memory_space<vmem>> -> memref<128xi32, #tpu.memory_space<vmem>>
      %dma_start3A_293 = arith.constant 0 : i32
      %dma_start3A_294 = arith.constant 0 : i32
      %dma_start3A_295 = tpu.memref_slice %arg3[%dma_start3A_293, %dma_start3A_294] : memref<1000000x32xf32, #tpu.memory_space<hbm>> -> memref<1000000x32xf32, #tpu.memory_space<hbm>>
      tpu.enqueue_indirect_dma source(%dma_start3A_295 : memref<1000000x32xf32, #tpu.memory_space<hbm>>) target(%dma_start3A_289 : memref<128x32xf32, #tpu.memory_space<vmem>>) offsets(%dma_start3A_292 : memref<128xi32, #tpu.memory_space<vmem>>) semaphore(%arg9 : memref<!tpu.dma_semaphore, #tpu.memory_space<semaphore_mem>>)
      %mul3A_296 = arith.constant 4 : i32
      %mul3A_297 = arith.muli %add3A_256, %mul3A_296 : i32
      %add3A_298 = arith.constant 3 : i32
      %add3A_299 = arith.addi %mul3A_297, %add3A_298 : i32
      %dma_start3A_300 = arith.constant 384 : i32
      %dma_start3A_301 = arith.constant 0 : i32
      %dma_start3A_302 = tpu.memref_slice %arg7[%dma_start3A_300, %dma_start3A_301] : memref<512x32xf32, #tpu.memory_space<vmem>> -> memref<128x32xf32, #tpu.memory_space<vmem>>
      %dma_start3A_303 = arith.constant 0 : i32
      %dma_start3A_304 = tpu.memref_slice %arg5[%add3A_299, %dma_start3A_303] : memref<200x128xi32, #tpu.memory_space<vmem>> -> memref<1x128xi32, #tpu.memory_space<vmem>>
      %dma_start3A_305 = tpu.memref_squeeze %dma_start3A_304 : memref<1x128xi32, #tpu.memory_space<vmem>> -> memref<128xi32, #tpu.memory_space<vmem>>
      %dma_start3A_306 = arith.constant 0 : i32
      %dma_start3A_307 = arith.constant 0 : i32
      %dma_start3A_308 = tpu.memref_slice %arg3[%dma_start3A_306, %dma_start3A_307] : memref<1000000x32xf32, #tpu.memory_space<hbm>> -> memref<1000000x32xf32, #tpu.memory_space<hbm>>
      tpu.enqueue_indirect_dma source(%dma_start3A_308 : memref<1000000x32xf32, #tpu.memory_space<hbm>>) target(%dma_start3A_302 : memref<128x32xf32, #tpu.memory_space<vmem>>) offsets(%dma_start3A_305 : memref<128xi32, #tpu.memory_space<vmem>>) semaphore(%arg9 : memref<!tpu.dma_semaphore, #tpu.memory_space<semaphore_mem>>)
    }
    %scan3A_88 = arith.constant 24 : i32
    %dma_wait3A = arith.constant 0 : i32
    %dma_wait3A_89 = arith.constant 0 : i32
    %dma_wait3A_90 = tpu.memref_slice %arg3[%dma_wait3A, %dma_wait3A_89] : memref<1000000x32xf32, #tpu.memory_space<hbm>> -> memref<512x32xf32, #tpu.memory_space<hbm>>
    %dma_wait3A_91 = arith.constant 0 : i32
    %dma_wait3A_92 = arith.constant 0 : i32
    %dma_wait3A_93 = tpu.memref_slice %arg3[%dma_wait3A_91, %dma_wait3A_92] : memref<1000000x32xf32, #tpu.memory_space<hbm>> -> memref<512x32xf32, #tpu.memory_space<hbm>>
    tpu.wait_dma2 semaphore(%arg8 : memref<!tpu.dma_semaphore, #tpu.memory_space<semaphore_mem>>) src(%dma_wait3A_93 : memref<512x32xf32, #tpu.memory_space<hbm>>) dst(%arg6 : memref<512x32xf32, #tpu.memory_space<vmem>>)
    %add3A_94 = arith.constant 48 : i32
    %add3A_95 = arith.addi %mul3A_2, %add3A_94 : i32
    %and3A = arith.constant 7 : i32
    %and3A_96 = arith.andi %add3A_95, %and3A : i32
    %mul3A_97 = arith.constant 512 : i32
    %mul3A_98 = arith.muli %and3A_96, %mul3A_97 : i32
    %shift_right_arithmetic3A = arith.constant 5 : i32
    %shift_right_arithmetic3A_99 = arith.shrsi %add3A_95, %shift_right_arithmetic3A : i32
    %shift_right_arithmetic3A_100 = arith.constant 3 : i32
    %shift_right_arithmetic3A_101 = arith.shrsi %add3A_95, %shift_right_arithmetic3A_100 : i32
    %and3A_102 = arith.constant 3 : i32
    %and3A_103 = arith.andi %shift_right_arithmetic3A_101, %and3A_102 : i32
    %mul3A_104 = arith.constant 32 : i32
    %mul3A_105 = arith.muli %and3A_103, %mul3A_104 : i32
    %dma_start3A_106 = tpu.memref_slice %arg4[%shift_right_arithmetic3A_99, %mul3A_98, %mul3A_105] : memref<50x4096x128xf32, #tpu.memory_space<hbm>> -> memref<1x512x32xf32, #tpu.memory_space<hbm>>
    %dma_start3A_107 = tpu.memref_squeeze %dma_start3A_106 : memref<1x512x32xf32, #tpu.memory_space<hbm>> -> memref<512x32xf32, #tpu.memory_space<hbm>>
    %dma_start3A_108 = tpu.memref_slice %arg4[%shift_right_arithmetic3A_99, %mul3A_98, %mul3A_105] : memref<50x4096x128xf32, #tpu.memory_space<hbm>> -> memref<1x512x32xf32, #tpu.memory_space<hbm>>
    %dma_start3A_109 = tpu.memref_squeeze %dma_start3A_108 : memref<1x512x32xf32, #tpu.memory_space<hbm>> -> memref<512x32xf32, #tpu.memory_space<hbm>>
    tpu.enqueue_dma source(%arg6 : memref<512x32xf32, #tpu.memory_space<vmem>>) target(%dma_start3A_109 : memref<512x32xf32, #tpu.memory_space<hbm>>) target_semaphore(%arg10 : memref<!tpu.dma_semaphore, #tpu.memory_space<semaphore_mem>>)
    %dma_wait3A_110 = tpu.memref_slice %arg4[%shift_right_arithmetic3A_99, %mul3A_98, %mul3A_105] : memref<50x4096x128xf32, #tpu.memory_space<hbm>> -> memref<1x512x32xf32, #tpu.memory_space<hbm>>
    %dma_wait3A_111 = tpu.memref_squeeze %dma_wait3A_110 : memref<1x512x32xf32, #tpu.memory_space<hbm>> -> memref<512x32xf32, #tpu.memory_space<hbm>>
    %dma_wait3A_112 = tpu.memref_slice %arg4[%shift_right_arithmetic3A_99, %mul3A_98, %mul3A_105] : memref<50x4096x128xf32, #tpu.memory_space<hbm>> -> memref<1x512x32xf32, #tpu.memory_space<hbm>>
    %dma_wait3A_113 = tpu.memref_squeeze %dma_wait3A_112 : memref<1x512x32xf32, #tpu.memory_space<hbm>> -> memref<512x32xf32, #tpu.memory_space<hbm>>
    tpu.wait_dma2 semaphore(%arg10 : memref<!tpu.dma_semaphore, #tpu.memory_space<semaphore_mem>>) src(%arg6 : memref<512x32xf32, #tpu.memory_space<vmem>>) dst(%dma_wait3A_113 : memref<512x32xf32, #tpu.memory_space<hbm>>)
    %dma_wait3A_114 = arith.constant 0 : i32
    %dma_wait3A_115 = arith.constant 0 : i32
    %dma_wait3A_116 = tpu.memref_slice %arg3[%dma_wait3A_114, %dma_wait3A_115] : memref<1000000x32xf32, #tpu.memory_space<hbm>> -> memref<512x32xf32, #tpu.memory_space<hbm>>
    %dma_wait3A_117 = arith.constant 0 : i32
    %dma_wait3A_118 = arith.constant 0 : i32
    %dma_wait3A_119 = tpu.memref_slice %arg3[%dma_wait3A_117, %dma_wait3A_118] : memref<1000000x32xf32, #tpu.memory_space<hbm>> -> memref<512x32xf32, #tpu.memory_space<hbm>>
    tpu.wait_dma2 semaphore(%arg9 : memref<!tpu.dma_semaphore, #tpu.memory_space<semaphore_mem>>) src(%dma_wait3A_119 : memref<512x32xf32, #tpu.memory_space<hbm>>) dst(%arg7 : memref<512x32xf32, #tpu.memory_space<vmem>>)
    %add3A_120 = arith.constant 49 : i32
    %add3A_121 = arith.addi %mul3A_2, %add3A_120 : i32
    %and3A_122 = arith.constant 7 : i32
    %and3A_123 = arith.andi %add3A_121, %and3A_122 : i32
    %mul3A_124 = arith.constant 512 : i32
    %mul3A_125 = arith.muli %and3A_123, %mul3A_124 : i32
    %shift_right_arithmetic3A_126 = arith.constant 5 : i32
    %shift_right_arithmetic3A_127 = arith.shrsi %add3A_121, %shift_right_arithmetic3A_126 : i32
    %shift_right_arithmetic3A_128 = arith.constant 3 : i32
    %shift_right_arithmetic3A_129 = arith.shrsi %add3A_121, %shift_right_arithmetic3A_128 : i32
    %and3A_130 = arith.constant 3 : i32
    %and3A_131 = arith.andi %shift_right_arithmetic3A_129, %and3A_130 : i32
    %mul3A_132 = arith.constant 32 : i32
    %mul3A_133 = arith.muli %and3A_131, %mul3A_132 : i32
    %dma_start3A_134 = tpu.memref_slice %arg4[%shift_right_arithmetic3A_127, %mul3A_125, %mul3A_133] : memref<50x4096x128xf32, #tpu.memory_space<hbm>> -> memref<1x512x32xf32, #tpu.memory_space<hbm>>
    %dma_start3A_135 = tpu.memref_squeeze %dma_start3A_134 : memref<1x512x32xf32, #tpu.memory_space<hbm>> -> memref<512x32xf32, #tpu.memory_space<hbm>>
    %dma_start3A_136 = tpu.memref_slice %arg4[%shift_right_arithmetic3A_127, %mul3A_125, %mul3A_133] : memref<50x4096x128xf32, #tpu.memory_space<hbm>> -> memref<1x512x32xf32, #tpu.memory_space<hbm>>
    %dma_start3A_137 = tpu.memref_squeeze %dma_start3A_136 : memref<1x512x32xf32, #tpu.memory_space<hbm>> -> memref<512x32xf32, #tpu.memory_space<hbm>>
    tpu.enqueue_dma source(%arg7 : memref<512x32xf32, #tpu.memory_space<vmem>>) target(%dma_start3A_137 : memref<512x32xf32, #tpu.memory_space<hbm>>) target_semaphore(%arg11 : memref<!tpu.dma_semaphore, #tpu.memory_space<semaphore_mem>>)
    %dma_wait3A_138 = tpu.memref_slice %arg4[%shift_right_arithmetic3A_127, %mul3A_125, %mul3A_133] : memref<50x4096x128xf32, #tpu.memory_space<hbm>> -> memref<1x512x32xf32, #tpu.memory_space<hbm>>
    %dma_wait3A_139 = tpu.memref_squeeze %dma_wait3A_138 : memref<1x512x32xf32, #tpu.memory_space<hbm>> -> memref<512x32xf32, #tpu.memory_space<hbm>>
    %dma_wait3A_140 = tpu.memref_slice %arg4[%shift_right_arithmetic3A_127, %mul3A_125, %mul3A_133] : memref<50x4096x128xf32, #tpu.memory_space<hbm>> -> memref<1x512x32xf32, #tpu.memory_space<hbm>>
    %dma_wait3A_141 = tpu.memref_squeeze %dma_wait3A_140 : memref<1x512x32xf32, #tpu.memory_space<hbm>> -> memref<512x32xf32, #tpu.memory_space<hbm>>
    tpu.wait_dma2 semaphore(%arg11 : memref<!tpu.dma_semaphore, #tpu.memory_space<semaphore_mem>>) src(%arg7 : memref<512x32xf32, #tpu.memory_space<vmem>>) dst(%dma_wait3A_141 : memref<512x32xf32, #tpu.memory_space<hbm>>)
    return
  }
}

#map = affine_map<(d0, d1) -> (0, 0)>
#map1 = affine_map<(d0, d1) -> (0, 0, 0)>
module attributes {stable_mosaic.version = 14 : i64} {
  func.func @body(%arg0: i32, %arg1: i32, %arg2: memref<6400x128xi32, #tpu.memory_space<hbm>>, %arg3: memref<1000000x32xf32, #tpu.memory_space<hbm>>, %arg4: memref<200x4096x32xf32, #tpu.memory_space<hbm>>, %arg5: memref<200x128xi32, #tpu.memory_space<vmem>>, %arg6: memref<512x32xf32, #tpu.memory_space<vmem>>, %arg7: memref<512x32xf32, #tpu.memory_space<vmem>>, %arg8: memref<!tpu.dma_semaphore, #tpu.memory_space<semaphore_mem>>, %arg9: memref<!tpu.dma_semaphore, #tpu.memory_space<semaphore_mem>>, %arg10: memref<!tpu.dma_semaphore, #tpu.memory_space<semaphore_mem>>, %arg11: memref<!tpu.dma_semaphore, #tpu.memory_space<semaphore_mem>>) attributes {dimension_semantics = [#tpu.dimension_semantics<core_parallel>, #tpu.dimension_semantics<subcore_parallel>], iteration_bounds = array<i64: 2, 16>, scalar_prefetch = 0 : i64, scratch_operands = 7 : i64, tpu.core_type = #tpu.core_type<sc_vector_subcore>, window_params = [{transform_indices = #map}, {transform_indices = #map}, {transform_indices = #map1}]} {
    %mul3A = arith.constant 2 : i32
    %mul3A_0 = arith.muli %arg1, %mul3A : i32
    %add3A = arith.addi %mul3A_0, %arg0 : i32
    %mul3A_1 = arith.constant 50 : i32
    %mul3A_2 = arith.muli %add3A, %mul3A_1 : i32
    %mul3A_3 = arith.constant 200 : i32
    %mul3A_4 = arith.muli %add3A, %mul3A_3 : i32
    "tpu.region"() ({
      %run_scoped3A = tpu.sem_alloc : memref<!tpu.dma_semaphore, #tpu.memory_space<semaphore_mem>>
      %dma_start3A_138 = arith.constant 0 : i32
      %dma_start3A_139 = tpu.memref_slice %arg2[%mul3A_4, %dma_start3A_138] : memref<6400x128xi32, #tpu.memory_space<hbm>> -> memref<200x128xi32, #tpu.memory_space<hbm>>
      %dma_start3A_140 = arith.constant 0 : i32
      %dma_start3A_141 = tpu.memref_slice %arg2[%mul3A_4, %dma_start3A_140] : memref<6400x128xi32, #tpu.memory_space<hbm>> -> memref<200x128xi32, #tpu.memory_space<hbm>>
      tpu.enqueue_dma source(%dma_start3A_141 : memref<200x128xi32, #tpu.memory_space<hbm>>) target(%arg5 : memref<200x128xi32, #tpu.memory_space<vmem>>) target_semaphore(%run_scoped3A : memref<!tpu.dma_semaphore, #tpu.memory_space<semaphore_mem>>)
      %dma_wait3A_142 = arith.constant 0 : i32
      %dma_wait3A_143 = tpu.memref_slice %arg2[%mul3A_4, %dma_wait3A_142] : memref<6400x128xi32, #tpu.memory_space<hbm>> -> memref<200x128xi32, #tpu.memory_space<hbm>>
      %dma_wait3A_144 = arith.constant 0 : i32
      %dma_wait3A_145 = tpu.memref_slice %arg2[%mul3A_4, %dma_wait3A_144] : memref<6400x128xi32, #tpu.memory_space<hbm>> -> memref<200x128xi32, #tpu.memory_space<hbm>>
      tpu.wait_dma2 semaphore(%run_scoped3A : memref<!tpu.dma_semaphore, #tpu.memory_space<semaphore_mem>>) src(%dma_wait3A_145 : memref<200x128xi32, #tpu.memory_space<hbm>>) dst(%arg5 : memref<200x128xi32, #tpu.memory_space<vmem>>)
      tpu.yield
    }) : () -> ()
    %dma_start3A = arith.constant 0 : i32
    %dma_start3A_5 = arith.constant 0 : i32
    %dma_start3A_6 = arith.constant 0 : i32
    %dma_start3A_7 = tpu.memref_slice %arg6[%dma_start3A_5, %dma_start3A_6] : memref<512x32xf32, #tpu.memory_space<vmem>> -> memref<128x32xf32, #tpu.memory_space<vmem>>
    %dma_start3A_8 = arith.constant 0 : i32
    %dma_start3A_9 = tpu.memref_slice %arg5[%dma_start3A, %dma_start3A_8] : memref<200x128xi32, #tpu.memory_space<vmem>> -> memref<1x128xi32, #tpu.memory_space<vmem>>
    %dma_start3A_10 = tpu.memref_squeeze %dma_start3A_9 : memref<1x128xi32, #tpu.memory_space<vmem>> -> memref<128xi32, #tpu.memory_space<vmem>>
    %dma_start3A_11 = arith.constant 0 : i32
    %dma_start3A_12 = arith.constant 0 : i32
    %dma_start3A_13 = tpu.memref_slice %arg3[%dma_start3A_11, %dma_start3A_12] : memref<1000000x32xf32, #tpu.memory_space<hbm>> -> memref<1000000x32xf32, #tpu.memory_space<hbm>>
    tpu.enqueue_indirect_dma source(%dma_start3A_13 : memref<1000000x32xf32, #tpu.memory_space<hbm>>) target(%dma_start3A_7 : memref<128x32xf32, #tpu.memory_space<vmem>>) offsets(%dma_start3A_10 : memref<128xi32, #tpu.memory_space<vmem>>) semaphore(%arg8 : memref<!tpu.dma_semaphore, #tpu.memory_space<semaphore_mem>>)
    %dma_start3A_14 = arith.constant 1 : i32
    %dma_start3A_15 = arith.constant 128 : i32
    %dma_start3A_16 = arith.constant 0 : i32
    %dma_start3A_17 = tpu.memref_slice %arg6[%dma_start3A_15, %dma_start3A_16] : memref<512x32xf32, #tpu.memory_space<vmem>> -> memref<128x32xf32, #tpu.memory_space<vmem>>
    %dma_start3A_18 = arith.constant 0 : i32
    %dma_start3A_19 = tpu.memref_slice %arg5[%dma_start3A_14, %dma_start3A_18] : memref<200x128xi32, #tpu.memory_space<vmem>> -> memref<1x128xi32, #tpu.memory_space<vmem>>
    %dma_start3A_20 = tpu.memref_squeeze %dma_start3A_19 : memref<1x128xi32, #tpu.memory_space<vmem>> -> memref<128xi32, #tpu.memory_space<vmem>>
    %dma_start3A_21 = arith.constant 0 : i32
    %dma_start3A_22 = arith.constant 0 : i32
    %dma_start3A_23 = tpu.memref_slice %arg3[%dma_start3A_21, %dma_start3A_22] : memref<1000000x32xf32, #tpu.memory_space<hbm>> -> memref<1000000x32xf32, #tpu.memory_space<hbm>>
    tpu.enqueue_indirect_dma source(%dma_start3A_23 : memref<1000000x32xf32, #tpu.memory_space<hbm>>) target(%dma_start3A_17 : memref<128x32xf32, #tpu.memory_space<vmem>>) offsets(%dma_start3A_20 : memref<128xi32, #tpu.memory_space<vmem>>) semaphore(%arg8 : memref<!tpu.dma_semaphore, #tpu.memory_space<semaphore_mem>>)
    %dma_start3A_24 = arith.constant 2 : i32
    %dma_start3A_25 = arith.constant 256 : i32
    %dma_start3A_26 = arith.constant 0 : i32
    %dma_start3A_27 = tpu.memref_slice %arg6[%dma_start3A_25, %dma_start3A_26] : memref<512x32xf32, #tpu.memory_space<vmem>> -> memref<128x32xf32, #tpu.memory_space<vmem>>
    %dma_start3A_28 = arith.constant 0 : i32
    %dma_start3A_29 = tpu.memref_slice %arg5[%dma_start3A_24, %dma_start3A_28] : memref<200x128xi32, #tpu.memory_space<vmem>> -> memref<1x128xi32, #tpu.memory_space<vmem>>
    %dma_start3A_30 = tpu.memref_squeeze %dma_start3A_29 : memref<1x128xi32, #tpu.memory_space<vmem>> -> memref<128xi32, #tpu.memory_space<vmem>>
    %dma_start3A_31 = arith.constant 0 : i32
    %dma_start3A_32 = arith.constant 0 : i32
    %dma_start3A_33 = tpu.memref_slice %arg3[%dma_start3A_31, %dma_start3A_32] : memref<1000000x32xf32, #tpu.memory_space<hbm>> -> memref<1000000x32xf32, #tpu.memory_space<hbm>>
    tpu.enqueue_indirect_dma source(%dma_start3A_33 : memref<1000000x32xf32, #tpu.memory_space<hbm>>) target(%dma_start3A_27 : memref<128x32xf32, #tpu.memory_space<vmem>>) offsets(%dma_start3A_30 : memref<128xi32, #tpu.memory_space<vmem>>) semaphore(%arg8 : memref<!tpu.dma_semaphore, #tpu.memory_space<semaphore_mem>>)
    %dma_start3A_34 = arith.constant 3 : i32
    %dma_start3A_35 = arith.constant 384 : i32
    %dma_start3A_36 = arith.constant 0 : i32
    %dma_start3A_37 = tpu.memref_slice %arg6[%dma_start3A_35, %dma_start3A_36] : memref<512x32xf32, #tpu.memory_space<vmem>> -> memref<128x32xf32, #tpu.memory_space<vmem>>
    %dma_start3A_38 = arith.constant 0 : i32
    %dma_start3A_39 = tpu.memref_slice %arg5[%dma_start3A_34, %dma_start3A_38] : memref<200x128xi32, #tpu.memory_space<vmem>> -> memref<1x128xi32, #tpu.memory_space<vmem>>
    %dma_start3A_40 = tpu.memref_squeeze %dma_start3A_39 : memref<1x128xi32, #tpu.memory_space<vmem>> -> memref<128xi32, #tpu.memory_space<vmem>>
    %dma_start3A_41 = arith.constant 0 : i32
    %dma_start3A_42 = arith.constant 0 : i32
    %dma_start3A_43 = tpu.memref_slice %arg3[%dma_start3A_41, %dma_start3A_42] : memref<1000000x32xf32, #tpu.memory_space<hbm>> -> memref<1000000x32xf32, #tpu.memory_space<hbm>>
    tpu.enqueue_indirect_dma source(%dma_start3A_43 : memref<1000000x32xf32, #tpu.memory_space<hbm>>) target(%dma_start3A_37 : memref<128x32xf32, #tpu.memory_space<vmem>>) offsets(%dma_start3A_40 : memref<128xi32, #tpu.memory_space<vmem>>) semaphore(%arg8 : memref<!tpu.dma_semaphore, #tpu.memory_space<semaphore_mem>>)
    %dma_start3A_44 = arith.constant 4 : i32
    %dma_start3A_45 = arith.constant 0 : i32
    %dma_start3A_46 = arith.constant 0 : i32
    %dma_start3A_47 = tpu.memref_slice %arg7[%dma_start3A_45, %dma_start3A_46] : memref<512x32xf32, #tpu.memory_space<vmem>> -> memref<128x32xf32, #tpu.memory_space<vmem>>
    %dma_start3A_48 = arith.constant 0 : i32
    %dma_start3A_49 = tpu.memref_slice %arg5[%dma_start3A_44, %dma_start3A_48] : memref<200x128xi32, #tpu.memory_space<vmem>> -> memref<1x128xi32, #tpu.memory_space<vmem>>
    %dma_start3A_50 = tpu.memref_squeeze %dma_start3A_49 : memref<1x128xi32, #tpu.memory_space<vmem>> -> memref<128xi32, #tpu.memory_space<vmem>>
    %dma_start3A_51 = arith.constant 0 : i32
    %dma_start3A_52 = arith.constant 0 : i32
    %dma_start3A_53 = tpu.memref_slice %arg3[%dma_start3A_51, %dma_start3A_52] : memref<1000000x32xf32, #tpu.memory_space<hbm>> -> memref<1000000x32xf32, #tpu.memory_space<hbm>>
    tpu.enqueue_indirect_dma source(%dma_start3A_53 : memref<1000000x32xf32, #tpu.memory_space<hbm>>) target(%dma_start3A_47 : memref<128x32xf32, #tpu.memory_space<vmem>>) offsets(%dma_start3A_50 : memref<128xi32, #tpu.memory_space<vmem>>) semaphore(%arg9 : memref<!tpu.dma_semaphore, #tpu.memory_space<semaphore_mem>>)
    %dma_start3A_54 = arith.constant 5 : i32
    %dma_start3A_55 = arith.constant 128 : i32
    %dma_start3A_56 = arith.constant 0 : i32
    %dma_start3A_57 = tpu.memref_slice %arg7[%dma_start3A_55, %dma_start3A_56] : memref<512x32xf32, #tpu.memory_space<vmem>> -> memref<128x32xf32, #tpu.memory_space<vmem>>
    %dma_start3A_58 = arith.constant 0 : i32
    %dma_start3A_59 = tpu.memref_slice %arg5[%dma_start3A_54, %dma_start3A_58] : memref<200x128xi32, #tpu.memory_space<vmem>> -> memref<1x128xi32, #tpu.memory_space<vmem>>
    %dma_start3A_60 = tpu.memref_squeeze %dma_start3A_59 : memref<1x128xi32, #tpu.memory_space<vmem>> -> memref<128xi32, #tpu.memory_space<vmem>>
    %dma_start3A_61 = arith.constant 0 : i32
    %dma_start3A_62 = arith.constant 0 : i32
    %dma_start3A_63 = tpu.memref_slice %arg3[%dma_start3A_61, %dma_start3A_62] : memref<1000000x32xf32, #tpu.memory_space<hbm>> -> memref<1000000x32xf32, #tpu.memory_space<hbm>>
    tpu.enqueue_indirect_dma source(%dma_start3A_63 : memref<1000000x32xf32, #tpu.memory_space<hbm>>) target(%dma_start3A_57 : memref<128x32xf32, #tpu.memory_space<vmem>>) offsets(%dma_start3A_60 : memref<128xi32, #tpu.memory_space<vmem>>) semaphore(%arg9 : memref<!tpu.dma_semaphore, #tpu.memory_space<semaphore_mem>>)
    %dma_start3A_64 = arith.constant 6 : i32
    %dma_start3A_65 = arith.constant 256 : i32
    %dma_start3A_66 = arith.constant 0 : i32
    %dma_start3A_67 = tpu.memref_slice %arg7[%dma_start3A_65, %dma_start3A_66] : memref<512x32xf32, #tpu.memory_space<vmem>> -> memref<128x32xf32, #tpu.memory_space<vmem>>
    %dma_start3A_68 = arith.constant 0 : i32
    %dma_start3A_69 = tpu.memref_slice %arg5[%dma_start3A_64, %dma_start3A_68] : memref<200x128xi32, #tpu.memory_space<vmem>> -> memref<1x128xi32, #tpu.memory_space<vmem>>
    %dma_start3A_70 = tpu.memref_squeeze %dma_start3A_69 : memref<1x128xi32, #tpu.memory_space<vmem>> -> memref<128xi32, #tpu.memory_space<vmem>>
    %dma_start3A_71 = arith.constant 0 : i32
    %dma_start3A_72 = arith.constant 0 : i32
    %dma_start3A_73 = tpu.memref_slice %arg3[%dma_start3A_71, %dma_start3A_72] : memref<1000000x32xf32, #tpu.memory_space<hbm>> -> memref<1000000x32xf32, #tpu.memory_space<hbm>>
    tpu.enqueue_indirect_dma source(%dma_start3A_73 : memref<1000000x32xf32, #tpu.memory_space<hbm>>) target(%dma_start3A_67 : memref<128x32xf32, #tpu.memory_space<vmem>>) offsets(%dma_start3A_70 : memref<128xi32, #tpu.memory_space<vmem>>) semaphore(%arg9 : memref<!tpu.dma_semaphore, #tpu.memory_space<semaphore_mem>>)
    %dma_start3A_74 = arith.constant 7 : i32
    %dma_start3A_75 = arith.constant 384 : i32
    %dma_start3A_76 = arith.constant 0 : i32
    %dma_start3A_77 = tpu.memref_slice %arg7[%dma_start3A_75, %dma_start3A_76] : memref<512x32xf32, #tpu.memory_space<vmem>> -> memref<128x32xf32, #tpu.memory_space<vmem>>
    %dma_start3A_78 = arith.constant 0 : i32
    %dma_start3A_79 = tpu.memref_slice %arg5[%dma_start3A_74, %dma_start3A_78] : memref<200x128xi32, #tpu.memory_space<vmem>> -> memref<1x128xi32, #tpu.memory_space<vmem>>
    %dma_start3A_80 = tpu.memref_squeeze %dma_start3A_79 : memref<1x128xi32, #tpu.memory_space<vmem>> -> memref<128xi32, #tpu.memory_space<vmem>>
    %dma_start3A_81 = arith.constant 0 : i32
    %dma_start3A_82 = arith.constant 0 : i32
    %dma_start3A_83 = tpu.memref_slice %arg3[%dma_start3A_81, %dma_start3A_82] : memref<1000000x32xf32, #tpu.memory_space<hbm>> -> memref<1000000x32xf32, #tpu.memory_space<hbm>>
    tpu.enqueue_indirect_dma source(%dma_start3A_83 : memref<1000000x32xf32, #tpu.memory_space<hbm>>) target(%dma_start3A_77 : memref<128x32xf32, #tpu.memory_space<vmem>>) offsets(%dma_start3A_80 : memref<128xi32, #tpu.memory_space<vmem>>) semaphore(%arg9 : memref<!tpu.dma_semaphore, #tpu.memory_space<semaphore_mem>>)
    %scan3A = arith.constant 0 : i32
    %scan3A_84 = arith.constant 0 : i32
    %scan3A_85 = arith.constant 24 : i32
    %scan3A_86 = arith.addi %scan3A_84, %scan3A_85 : i32
    %scan3A_87 = arith.constant 1 : i32
    scf.for %scan3A_138 = %scan3A_84 to %scan3A_86 step %scan3A_87  : i32 {
      %mul3A_139 = arith.constant 2 : i32
      %mul3A_140 = arith.muli %mul3A_139, %scan3A_138 : i32
      %dma_wait3A_141 = arith.constant 0 : i32
      %dma_wait3A_142 = arith.constant 0 : i32
      %dma_wait3A_143 = tpu.memref_slice %arg3[%dma_wait3A_141, %dma_wait3A_142] : memref<1000000x32xf32, #tpu.memory_space<hbm>> -> memref<512x32xf32, #tpu.memory_space<hbm>>
      %dma_wait3A_144 = arith.constant 0 : i32
      %dma_wait3A_145 = arith.constant 0 : i32
      %dma_wait3A_146 = tpu.memref_slice %arg3[%dma_wait3A_144, %dma_wait3A_145] : memref<1000000x32xf32, #tpu.memory_space<hbm>> -> memref<512x32xf32, #tpu.memory_space<hbm>>
      tpu.wait_dma2 semaphore(%arg8 : memref<!tpu.dma_semaphore, #tpu.memory_space<semaphore_mem>>) src(%dma_wait3A_146 : memref<512x32xf32, #tpu.memory_space<hbm>>) dst(%arg6 : memref<512x32xf32, #tpu.memory_space<vmem>>)
      %add3A_147 = arith.addi %mul3A_2, %mul3A_140 : i32
      %and3A_148 = arith.constant 7 : i32
      %and3A_149 = arith.andi %add3A_147, %and3A_148 : i32
      %mul3A_150 = arith.constant 512 : i32
      %mul3A_151 = arith.muli %and3A_149, %mul3A_150 : i32
      %shift_right_arithmetic3A_152 = arith.constant 3 : i32
      %shift_right_arithmetic3A_153 = arith.shrsi %add3A_147, %shift_right_arithmetic3A_152 : i32
      %dma_start3A_154 = arith.constant 0 : i32
      %dma_start3A_155 = tpu.memref_slice %arg4[%shift_right_arithmetic3A_153, %mul3A_151, %dma_start3A_154] : memref<200x4096x32xf32, #tpu.memory_space<hbm>> -> memref<1x512x32xf32, #tpu.memory_space<hbm>>
      %dma_start3A_156 = tpu.memref_squeeze %dma_start3A_155 : memref<1x512x32xf32, #tpu.memory_space<hbm>> -> memref<512x32xf32, #tpu.memory_space<hbm>>
      %dma_start3A_157 = arith.constant 0 : i32
      %dma_start3A_158 = tpu.memref_slice %arg4[%shift_right_arithmetic3A_153, %mul3A_151, %dma_start3A_157] : memref<200x4096x32xf32, #tpu.memory_space<hbm>> -> memref<1x512x32xf32, #tpu.memory_space<hbm>>
      %dma_start3A_159 = tpu.memref_squeeze %dma_start3A_158 : memref<1x512x32xf32, #tpu.memory_space<hbm>> -> memref<512x32xf32, #tpu.memory_space<hbm>>
      tpu.enqueue_dma source(%arg6 : memref<512x32xf32, #tpu.memory_space<vmem>>) target(%dma_start3A_159 : memref<512x32xf32, #tpu.memory_space<hbm>>) target_semaphore(%arg10 : memref<!tpu.dma_semaphore, #tpu.memory_space<semaphore_mem>>)
      %dma_wait3A_160 = arith.constant 0 : i32
      %dma_wait3A_161 = tpu.memref_slice %arg4[%shift_right_arithmetic3A_153, %mul3A_151, %dma_wait3A_160] : memref<200x4096x32xf32, #tpu.memory_space<hbm>> -> memref<1x512x32xf32, #tpu.memory_space<hbm>>
      %dma_wait3A_162 = tpu.memref_squeeze %dma_wait3A_161 : memref<1x512x32xf32, #tpu.memory_space<hbm>> -> memref<512x32xf32, #tpu.memory_space<hbm>>
      %dma_wait3A_163 = arith.constant 0 : i32
      %dma_wait3A_164 = tpu.memref_slice %arg4[%shift_right_arithmetic3A_153, %mul3A_151, %dma_wait3A_163] : memref<200x4096x32xf32, #tpu.memory_space<hbm>> -> memref<1x512x32xf32, #tpu.memory_space<hbm>>
      %dma_wait3A_165 = tpu.memref_squeeze %dma_wait3A_164 : memref<1x512x32xf32, #tpu.memory_space<hbm>> -> memref<512x32xf32, #tpu.memory_space<hbm>>
      tpu.wait_dma2 semaphore(%arg10 : memref<!tpu.dma_semaphore, #tpu.memory_space<semaphore_mem>>) src(%arg6 : memref<512x32xf32, #tpu.memory_space<vmem>>) dst(%dma_wait3A_165 : memref<512x32xf32, #tpu.memory_space<hbm>>)
      %add3A_166 = arith.constant 2 : i32
      %add3A_167 = arith.addi %mul3A_140, %add3A_166 : i32
      %mul3A_168 = arith.constant 4 : i32
      %mul3A_169 = arith.muli %add3A_167, %mul3A_168 : i32
      %add3A_170 = arith.constant 0 : i32
      %add3A_171 = arith.addi %mul3A_169, %add3A_170 : i32
      %dma_start3A_172 = arith.constant 0 : i32
      %dma_start3A_173 = arith.constant 0 : i32
      %dma_start3A_174 = tpu.memref_slice %arg6[%dma_start3A_172, %dma_start3A_173] : memref<512x32xf32, #tpu.memory_space<vmem>> -> memref<128x32xf32, #tpu.memory_space<vmem>>
      %dma_start3A_175 = arith.constant 0 : i32
      %dma_start3A_176 = tpu.memref_slice %arg5[%add3A_171, %dma_start3A_175] : memref<200x128xi32, #tpu.memory_space<vmem>> -> memref<1x128xi32, #tpu.memory_space<vmem>>
      %dma_start3A_177 = tpu.memref_squeeze %dma_start3A_176 : memref<1x128xi32, #tpu.memory_space<vmem>> -> memref<128xi32, #tpu.memory_space<vmem>>
      %dma_start3A_178 = arith.constant 0 : i32
      %dma_start3A_179 = arith.constant 0 : i32
      %dma_start3A_180 = tpu.memref_slice %arg3[%dma_start3A_178, %dma_start3A_179] : memref<1000000x32xf32, #tpu.memory_space<hbm>> -> memref<1000000x32xf32, #tpu.memory_space<hbm>>
      tpu.enqueue_indirect_dma source(%dma_start3A_180 : memref<1000000x32xf32, #tpu.memory_space<hbm>>) target(%dma_start3A_174 : memref<128x32xf32, #tpu.memory_space<vmem>>) offsets(%dma_start3A_177 : memref<128xi32, #tpu.memory_space<vmem>>) semaphore(%arg8 : memref<!tpu.dma_semaphore, #tpu.memory_space<semaphore_mem>>)
      %mul3A_181 = arith.constant 4 : i32
      %mul3A_182 = arith.muli %add3A_167, %mul3A_181 : i32
      %add3A_183 = arith.constant 1 : i32
      %add3A_184 = arith.addi %mul3A_182, %add3A_183 : i32
      %dma_start3A_185 = arith.constant 128 : i32
      %dma_start3A_186 = arith.constant 0 : i32
      %dma_start3A_187 = tpu.memref_slice %arg6[%dma_start3A_185, %dma_start3A_186] : memref<512x32xf32, #tpu.memory_space<vmem>> -> memref<128x32xf32, #tpu.memory_space<vmem>>
      %dma_start3A_188 = arith.constant 0 : i32
      %dma_start3A_189 = tpu.memref_slice %arg5[%add3A_184, %dma_start3A_188] : memref<200x128xi32, #tpu.memory_space<vmem>> -> memref<1x128xi32, #tpu.memory_space<vmem>>
      %dma_start3A_190 = tpu.memref_squeeze %dma_start3A_189 : memref<1x128xi32, #tpu.memory_space<vmem>> -> memref<128xi32, #tpu.memory_space<vmem>>
      %dma_start3A_191 = arith.constant 0 : i32
      %dma_start3A_192 = arith.constant 0 : i32
      %dma_start3A_193 = tpu.memref_slice %arg3[%dma_start3A_191, %dma_start3A_192] : memref<1000000x32xf32, #tpu.memory_space<hbm>> -> memref<1000000x32xf32, #tpu.memory_space<hbm>>
      tpu.enqueue_indirect_dma source(%dma_start3A_193 : memref<1000000x32xf32, #tpu.memory_space<hbm>>) target(%dma_start3A_187 : memref<128x32xf32, #tpu.memory_space<vmem>>) offsets(%dma_start3A_190 : memref<128xi32, #tpu.memory_space<vmem>>) semaphore(%arg8 : memref<!tpu.dma_semaphore, #tpu.memory_space<semaphore_mem>>)
      %mul3A_194 = arith.constant 4 : i32
      %mul3A_195 = arith.muli %add3A_167, %mul3A_194 : i32
      %add3A_196 = arith.constant 2 : i32
      %add3A_197 = arith.addi %mul3A_195, %add3A_196 : i32
      %dma_start3A_198 = arith.constant 256 : i32
      %dma_start3A_199 = arith.constant 0 : i32
      %dma_start3A_200 = tpu.memref_slice %arg6[%dma_start3A_198, %dma_start3A_199] : memref<512x32xf32, #tpu.memory_space<vmem>> -> memref<128x32xf32, #tpu.memory_space<vmem>>
      %dma_start3A_201 = arith.constant 0 : i32
      %dma_start3A_202 = tpu.memref_slice %arg5[%add3A_197, %dma_start3A_201] : memref<200x128xi32, #tpu.memory_space<vmem>> -> memref<1x128xi32, #tpu.memory_space<vmem>>
      %dma_start3A_203 = tpu.memref_squeeze %dma_start3A_202 : memref<1x128xi32, #tpu.memory_space<vmem>> -> memref<128xi32, #tpu.memory_space<vmem>>
      %dma_start3A_204 = arith.constant 0 : i32
      %dma_start3A_205 = arith.constant 0 : i32
      %dma_start3A_206 = tpu.memref_slice %arg3[%dma_start3A_204, %dma_start3A_205] : memref<1000000x32xf32, #tpu.memory_space<hbm>> -> memref<1000000x32xf32, #tpu.memory_space<hbm>>
      tpu.enqueue_indirect_dma source(%dma_start3A_206 : memref<1000000x32xf32, #tpu.memory_space<hbm>>) target(%dma_start3A_200 : memref<128x32xf32, #tpu.memory_space<vmem>>) offsets(%dma_start3A_203 : memref<128xi32, #tpu.memory_space<vmem>>) semaphore(%arg8 : memref<!tpu.dma_semaphore, #tpu.memory_space<semaphore_mem>>)
      %mul3A_207 = arith.constant 4 : i32
      %mul3A_208 = arith.muli %add3A_167, %mul3A_207 : i32
      %add3A_209 = arith.constant 3 : i32
      %add3A_210 = arith.addi %mul3A_208, %add3A_209 : i32
      %dma_start3A_211 = arith.constant 384 : i32
      %dma_start3A_212 = arith.constant 0 : i32
      %dma_start3A_213 = tpu.memref_slice %arg6[%dma_start3A_211, %dma_start3A_212] : memref<512x32xf32, #tpu.memory_space<vmem>> -> memref<128x32xf32, #tpu.memory_space<vmem>>
      %dma_start3A_214 = arith.constant 0 : i32
      %dma_start3A_215 = tpu.memref_slice %arg5[%add3A_210, %dma_start3A_214] : memref<200x128xi32, #tpu.memory_space<vmem>> -> memref<1x128xi32, #tpu.memory_space<vmem>>
      %dma_start3A_216 = tpu.memref_squeeze %dma_start3A_215 : memref<1x128xi32, #tpu.memory_space<vmem>> -> memref<128xi32, #tpu.memory_space<vmem>>
      %dma_start3A_217 = arith.constant 0 : i32
      %dma_start3A_218 = arith.constant 0 : i32
      %dma_start3A_219 = tpu.memref_slice %arg3[%dma_start3A_217, %dma_start3A_218] : memref<1000000x32xf32, #tpu.memory_space<hbm>> -> memref<1000000x32xf32, #tpu.memory_space<hbm>>
      tpu.enqueue_indirect_dma source(%dma_start3A_219 : memref<1000000x32xf32, #tpu.memory_space<hbm>>) target(%dma_start3A_213 : memref<128x32xf32, #tpu.memory_space<vmem>>) offsets(%dma_start3A_216 : memref<128xi32, #tpu.memory_space<vmem>>) semaphore(%arg8 : memref<!tpu.dma_semaphore, #tpu.memory_space<semaphore_mem>>)
      %dma_wait3A_220 = arith.constant 0 : i32
      %dma_wait3A_221 = arith.constant 0 : i32
      %dma_wait3A_222 = tpu.memref_slice %arg3[%dma_wait3A_220, %dma_wait3A_221] : memref<1000000x32xf32, #tpu.memory_space<hbm>> -> memref<512x32xf32, #tpu.memory_space<hbm>>
      %dma_wait3A_223 = arith.constant 0 : i32
      %dma_wait3A_224 = arith.constant 0 : i32
      %dma_wait3A_225 = tpu.memref_slice %arg3[%dma_wait3A_223, %dma_wait3A_224] : memref<1000000x32xf32, #tpu.memory_space<hbm>> -> memref<512x32xf32, #tpu.memory_space<hbm>>
      tpu.wait_dma2 semaphore(%arg9 : memref<!tpu.dma_semaphore, #tpu.memory_space<semaphore_mem>>) src(%dma_wait3A_225 : memref<512x32xf32, #tpu.memory_space<hbm>>) dst(%arg7 : memref<512x32xf32, #tpu.memory_space<vmem>>)
      %add3A_226 = arith.constant 1 : i32
      %add3A_227 = arith.addi %mul3A_140, %add3A_226 : i32
      %add3A_228 = arith.addi %mul3A_2, %add3A_227 : i32
      %and3A_229 = arith.constant 7 : i32
      %and3A_230 = arith.andi %add3A_228, %and3A_229 : i32
      %mul3A_231 = arith.constant 512 : i32
      %mul3A_232 = arith.muli %and3A_230, %mul3A_231 : i32
      %shift_right_arithmetic3A_233 = arith.constant 3 : i32
      %shift_right_arithmetic3A_234 = arith.shrsi %add3A_228, %shift_right_arithmetic3A_233 : i32
      %dma_start3A_235 = arith.constant 0 : i32
      %dma_start3A_236 = tpu.memref_slice %arg4[%shift_right_arithmetic3A_234, %mul3A_232, %dma_start3A_235] : memref<200x4096x32xf32, #tpu.memory_space<hbm>> -> memref<1x512x32xf32, #tpu.memory_space<hbm>>
      %dma_start3A_237 = tpu.memref_squeeze %dma_start3A_236 : memref<1x512x32xf32, #tpu.memory_space<hbm>> -> memref<512x32xf32, #tpu.memory_space<hbm>>
      %dma_start3A_238 = arith.constant 0 : i32
      %dma_start3A_239 = tpu.memref_slice %arg4[%shift_right_arithmetic3A_234, %mul3A_232, %dma_start3A_238] : memref<200x4096x32xf32, #tpu.memory_space<hbm>> -> memref<1x512x32xf32, #tpu.memory_space<hbm>>
      %dma_start3A_240 = tpu.memref_squeeze %dma_start3A_239 : memref<1x512x32xf32, #tpu.memory_space<hbm>> -> memref<512x32xf32, #tpu.memory_space<hbm>>
      tpu.enqueue_dma source(%arg7 : memref<512x32xf32, #tpu.memory_space<vmem>>) target(%dma_start3A_240 : memref<512x32xf32, #tpu.memory_space<hbm>>) target_semaphore(%arg11 : memref<!tpu.dma_semaphore, #tpu.memory_space<semaphore_mem>>)
      %dma_wait3A_241 = arith.constant 0 : i32
      %dma_wait3A_242 = tpu.memref_slice %arg4[%shift_right_arithmetic3A_234, %mul3A_232, %dma_wait3A_241] : memref<200x4096x32xf32, #tpu.memory_space<hbm>> -> memref<1x512x32xf32, #tpu.memory_space<hbm>>
      %dma_wait3A_243 = tpu.memref_squeeze %dma_wait3A_242 : memref<1x512x32xf32, #tpu.memory_space<hbm>> -> memref<512x32xf32, #tpu.memory_space<hbm>>
      %dma_wait3A_244 = arith.constant 0 : i32
      %dma_wait3A_245 = tpu.memref_slice %arg4[%shift_right_arithmetic3A_234, %mul3A_232, %dma_wait3A_244] : memref<200x4096x32xf32, #tpu.memory_space<hbm>> -> memref<1x512x32xf32, #tpu.memory_space<hbm>>
      %dma_wait3A_246 = tpu.memref_squeeze %dma_wait3A_245 : memref<1x512x32xf32, #tpu.memory_space<hbm>> -> memref<512x32xf32, #tpu.memory_space<hbm>>
      tpu.wait_dma2 semaphore(%arg11 : memref<!tpu.dma_semaphore, #tpu.memory_space<semaphore_mem>>) src(%arg7 : memref<512x32xf32, #tpu.memory_space<vmem>>) dst(%dma_wait3A_246 : memref<512x32xf32, #tpu.memory_space<hbm>>)
      %add3A_247 = arith.constant 3 : i32
      %add3A_248 = arith.addi %mul3A_140, %add3A_247 : i32
      %mul3A_249 = arith.constant 4 : i32
      %mul3A_250 = arith.muli %add3A_248, %mul3A_249 : i32
      %add3A_251 = arith.constant 0 : i32
      %add3A_252 = arith.addi %mul3A_250, %add3A_251 : i32
      %dma_start3A_253 = arith.constant 0 : i32
      %dma_start3A_254 = arith.constant 0 : i32
      %dma_start3A_255 = tpu.memref_slice %arg7[%dma_start3A_253, %dma_start3A_254] : memref<512x32xf32, #tpu.memory_space<vmem>> -> memref<128x32xf32, #tpu.memory_space<vmem>>
      %dma_start3A_256 = arith.constant 0 : i32
      %dma_start3A_257 = tpu.memref_slice %arg5[%add3A_252, %dma_start3A_256] : memref<200x128xi32, #tpu.memory_space<vmem>> -> memref<1x128xi32, #tpu.memory_space<vmem>>
      %dma_start3A_258 = tpu.memref_squeeze %dma_start3A_257 : memref<1x128xi32, #tpu.memory_space<vmem>> -> memref<128xi32, #tpu.memory_space<vmem>>
      %dma_start3A_259 = arith.constant 0 : i32
      %dma_start3A_260 = arith.constant 0 : i32
      %dma_start3A_261 = tpu.memref_slice %arg3[%dma_start3A_259, %dma_start3A_260] : memref<1000000x32xf32, #tpu.memory_space<hbm>> -> memref<1000000x32xf32, #tpu.memory_space<hbm>>
      tpu.enqueue_indirect_dma source(%dma_start3A_261 : memref<1000000x32xf32, #tpu.memory_space<hbm>>) target(%dma_start3A_255 : memref<128x32xf32, #tpu.memory_space<vmem>>) offsets(%dma_start3A_258 : memref<128xi32, #tpu.memory_space<vmem>>) semaphore(%arg9 : memref<!tpu.dma_semaphore, #tpu.memory_space<semaphore_mem>>)
      %mul3A_262 = arith.constant 4 : i32
      %mul3A_263 = arith.muli %add3A_248, %mul3A_262 : i32
      %add3A_264 = arith.constant 1 : i32
      %add3A_265 = arith.addi %mul3A_263, %add3A_264 : i32
      %dma_start3A_266 = arith.constant 128 : i32
      %dma_start3A_267 = arith.constant 0 : i32
      %dma_start3A_268 = tpu.memref_slice %arg7[%dma_start3A_266, %dma_start3A_267] : memref<512x32xf32, #tpu.memory_space<vmem>> -> memref<128x32xf32, #tpu.memory_space<vmem>>
      %dma_start3A_269 = arith.constant 0 : i32
      %dma_start3A_270 = tpu.memref_slice %arg5[%add3A_265, %dma_start3A_269] : memref<200x128xi32, #tpu.memory_space<vmem>> -> memref<1x128xi32, #tpu.memory_space<vmem>>
      %dma_start3A_271 = tpu.memref_squeeze %dma_start3A_270 : memref<1x128xi32, #tpu.memory_space<vmem>> -> memref<128xi32, #tpu.memory_space<vmem>>
      %dma_start3A_272 = arith.constant 0 : i32
      %dma_start3A_273 = arith.constant 0 : i32
      %dma_start3A_274 = tpu.memref_slice %arg3[%dma_start3A_272, %dma_start3A_273] : memref<1000000x32xf32, #tpu.memory_space<hbm>> -> memref<1000000x32xf32, #tpu.memory_space<hbm>>
      tpu.enqueue_indirect_dma source(%dma_start3A_274 : memref<1000000x32xf32, #tpu.memory_space<hbm>>) target(%dma_start3A_268 : memref<128x32xf32, #tpu.memory_space<vmem>>) offsets(%dma_start3A_271 : memref<128xi32, #tpu.memory_space<vmem>>) semaphore(%arg9 : memref<!tpu.dma_semaphore, #tpu.memory_space<semaphore_mem>>)
      %mul3A_275 = arith.constant 4 : i32
      %mul3A_276 = arith.muli %add3A_248, %mul3A_275 : i32
      %add3A_277 = arith.constant 2 : i32
      %add3A_278 = arith.addi %mul3A_276, %add3A_277 : i32
      %dma_start3A_279 = arith.constant 256 : i32
      %dma_start3A_280 = arith.constant 0 : i32
      %dma_start3A_281 = tpu.memref_slice %arg7[%dma_start3A_279, %dma_start3A_280] : memref<512x32xf32, #tpu.memory_space<vmem>> -> memref<128x32xf32, #tpu.memory_space<vmem>>
      %dma_start3A_282 = arith.constant 0 : i32
      %dma_start3A_283 = tpu.memref_slice %arg5[%add3A_278, %dma_start3A_282] : memref<200x128xi32, #tpu.memory_space<vmem>> -> memref<1x128xi32, #tpu.memory_space<vmem>>
      %dma_start3A_284 = tpu.memref_squeeze %dma_start3A_283 : memref<1x128xi32, #tpu.memory_space<vmem>> -> memref<128xi32, #tpu.memory_space<vmem>>
      %dma_start3A_285 = arith.constant 0 : i32
      %dma_start3A_286 = arith.constant 0 : i32
      %dma_start3A_287 = tpu.memref_slice %arg3[%dma_start3A_285, %dma_start3A_286] : memref<1000000x32xf32, #tpu.memory_space<hbm>> -> memref<1000000x32xf32, #tpu.memory_space<hbm>>
      tpu.enqueue_indirect_dma source(%dma_start3A_287 : memref<1000000x32xf32, #tpu.memory_space<hbm>>) target(%dma_start3A_281 : memref<128x32xf32, #tpu.memory_space<vmem>>) offsets(%dma_start3A_284 : memref<128xi32, #tpu.memory_space<vmem>>) semaphore(%arg9 : memref<!tpu.dma_semaphore, #tpu.memory_space<semaphore_mem>>)
      %mul3A_288 = arith.constant 4 : i32
      %mul3A_289 = arith.muli %add3A_248, %mul3A_288 : i32
      %add3A_290 = arith.constant 3 : i32
      %add3A_291 = arith.addi %mul3A_289, %add3A_290 : i32
      %dma_start3A_292 = arith.constant 384 : i32
      %dma_start3A_293 = arith.constant 0 : i32
      %dma_start3A_294 = tpu.memref_slice %arg7[%dma_start3A_292, %dma_start3A_293] : memref<512x32xf32, #tpu.memory_space<vmem>> -> memref<128x32xf32, #tpu.memory_space<vmem>>
      %dma_start3A_295 = arith.constant 0 : i32
      %dma_start3A_296 = tpu.memref_slice %arg5[%add3A_291, %dma_start3A_295] : memref<200x128xi32, #tpu.memory_space<vmem>> -> memref<1x128xi32, #tpu.memory_space<vmem>>
      %dma_start3A_297 = tpu.memref_squeeze %dma_start3A_296 : memref<1x128xi32, #tpu.memory_space<vmem>> -> memref<128xi32, #tpu.memory_space<vmem>>
      %dma_start3A_298 = arith.constant 0 : i32
      %dma_start3A_299 = arith.constant 0 : i32
      %dma_start3A_300 = tpu.memref_slice %arg3[%dma_start3A_298, %dma_start3A_299] : memref<1000000x32xf32, #tpu.memory_space<hbm>> -> memref<1000000x32xf32, #tpu.memory_space<hbm>>
      tpu.enqueue_indirect_dma source(%dma_start3A_300 : memref<1000000x32xf32, #tpu.memory_space<hbm>>) target(%dma_start3A_294 : memref<128x32xf32, #tpu.memory_space<vmem>>) offsets(%dma_start3A_297 : memref<128xi32, #tpu.memory_space<vmem>>) semaphore(%arg9 : memref<!tpu.dma_semaphore, #tpu.memory_space<semaphore_mem>>)
    }
    %scan3A_88 = arith.constant 24 : i32
    %dma_wait3A = arith.constant 0 : i32
    %dma_wait3A_89 = arith.constant 0 : i32
    %dma_wait3A_90 = tpu.memref_slice %arg3[%dma_wait3A, %dma_wait3A_89] : memref<1000000x32xf32, #tpu.memory_space<hbm>> -> memref<512x32xf32, #tpu.memory_space<hbm>>
    %dma_wait3A_91 = arith.constant 0 : i32
    %dma_wait3A_92 = arith.constant 0 : i32
    %dma_wait3A_93 = tpu.memref_slice %arg3[%dma_wait3A_91, %dma_wait3A_92] : memref<1000000x32xf32, #tpu.memory_space<hbm>> -> memref<512x32xf32, #tpu.memory_space<hbm>>
    tpu.wait_dma2 semaphore(%arg8 : memref<!tpu.dma_semaphore, #tpu.memory_space<semaphore_mem>>) src(%dma_wait3A_93 : memref<512x32xf32, #tpu.memory_space<hbm>>) dst(%arg6 : memref<512x32xf32, #tpu.memory_space<vmem>>)
    %add3A_94 = arith.constant 48 : i32
    %add3A_95 = arith.addi %mul3A_2, %add3A_94 : i32
    %and3A = arith.constant 7 : i32
    %and3A_96 = arith.andi %add3A_95, %and3A : i32
    %mul3A_97 = arith.constant 512 : i32
    %mul3A_98 = arith.muli %and3A_96, %mul3A_97 : i32
    %shift_right_arithmetic3A = arith.constant 3 : i32
    %shift_right_arithmetic3A_99 = arith.shrsi %add3A_95, %shift_right_arithmetic3A : i32
    %dma_start3A_100 = arith.constant 0 : i32
    %dma_start3A_101 = tpu.memref_slice %arg4[%shift_right_arithmetic3A_99, %mul3A_98, %dma_start3A_100] : memref<200x4096x32xf32, #tpu.memory_space<hbm>> -> memref<1x512x32xf32, #tpu.memory_space<hbm>>
    %dma_start3A_102 = tpu.memref_squeeze %dma_start3A_101 : memref<1x512x32xf32, #tpu.memory_space<hbm>> -> memref<512x32xf32, #tpu.memory_space<hbm>>
    %dma_start3A_103 = arith.constant 0 : i32
    %dma_start3A_104 = tpu.memref_slice %arg4[%shift_right_arithmetic3A_99, %mul3A_98, %dma_start3A_103] : memref<200x4096x32xf32, #tpu.memory_space<hbm>> -> memref<1x512x32xf32, #tpu.memory_space<hbm>>
    %dma_start3A_105 = tpu.memref_squeeze %dma_start3A_104 : memref<1x512x32xf32, #tpu.memory_space<hbm>> -> memref<512x32xf32, #tpu.memory_space<hbm>>
    tpu.enqueue_dma source(%arg6 : memref<512x32xf32, #tpu.memory_space<vmem>>) target(%dma_start3A_105 : memref<512x32xf32, #tpu.memory_space<hbm>>) target_semaphore(%arg10 : memref<!tpu.dma_semaphore, #tpu.memory_space<semaphore_mem>>)
    %dma_wait3A_106 = arith.constant 0 : i32
    %dma_wait3A_107 = tpu.memref_slice %arg4[%shift_right_arithmetic3A_99, %mul3A_98, %dma_wait3A_106] : memref<200x4096x32xf32, #tpu.memory_space<hbm>> -> memref<1x512x32xf32, #tpu.memory_space<hbm>>
    %dma_wait3A_108 = tpu.memref_squeeze %dma_wait3A_107 : memref<1x512x32xf32, #tpu.memory_space<hbm>> -> memref<512x32xf32, #tpu.memory_space<hbm>>
    %dma_wait3A_109 = arith.constant 0 : i32
    %dma_wait3A_110 = tpu.memref_slice %arg4[%shift_right_arithmetic3A_99, %mul3A_98, %dma_wait3A_109] : memref<200x4096x32xf32, #tpu.memory_space<hbm>> -> memref<1x512x32xf32, #tpu.memory_space<hbm>>
    %dma_wait3A_111 = tpu.memref_squeeze %dma_wait3A_110 : memref<1x512x32xf32, #tpu.memory_space<hbm>> -> memref<512x32xf32, #tpu.memory_space<hbm>>
    tpu.wait_dma2 semaphore(%arg10 : memref<!tpu.dma_semaphore, #tpu.memory_space<semaphore_mem>>) src(%arg6 : memref<512x32xf32, #tpu.memory_space<vmem>>) dst(%dma_wait3A_111 : memref<512x32xf32, #tpu.memory_space<hbm>>)
    %dma_wait3A_112 = arith.constant 0 : i32
    %dma_wait3A_113 = arith.constant 0 : i32
    %dma_wait3A_114 = tpu.memref_slice %arg3[%dma_wait3A_112, %dma_wait3A_113] : memref<1000000x32xf32, #tpu.memory_space<hbm>> -> memref<512x32xf32, #tpu.memory_space<hbm>>
    %dma_wait3A_115 = arith.constant 0 : i32
    %dma_wait3A_116 = arith.constant 0 : i32
    %dma_wait3A_117 = tpu.memref_slice %arg3[%dma_wait3A_115, %dma_wait3A_116] : memref<1000000x32xf32, #tpu.memory_space<hbm>> -> memref<512x32xf32, #tpu.memory_space<hbm>>
    tpu.wait_dma2 semaphore(%arg9 : memref<!tpu.dma_semaphore, #tpu.memory_space<semaphore_mem>>) src(%dma_wait3A_117 : memref<512x32xf32, #tpu.memory_space<hbm>>) dst(%arg7 : memref<512x32xf32, #tpu.memory_space<vmem>>)
    %add3A_118 = arith.constant 49 : i32
    %add3A_119 = arith.addi %mul3A_2, %add3A_118 : i32
    %and3A_120 = arith.constant 7 : i32
    %and3A_121 = arith.andi %add3A_119, %and3A_120 : i32
    %mul3A_122 = arith.constant 512 : i32
    %mul3A_123 = arith.muli %and3A_121, %mul3A_122 : i32
    %shift_right_arithmetic3A_124 = arith.constant 3 : i32
    %shift_right_arithmetic3A_125 = arith.shrsi %add3A_119, %shift_right_arithmetic3A_124 : i32
    %dma_start3A_126 = arith.constant 0 : i32
    %dma_start3A_127 = tpu.memref_slice %arg4[%shift_right_arithmetic3A_125, %mul3A_123, %dma_start3A_126] : memref<200x4096x32xf32, #tpu.memory_space<hbm>> -> memref<1x512x32xf32, #tpu.memory_space<hbm>>
    %dma_start3A_128 = tpu.memref_squeeze %dma_start3A_127 : memref<1x512x32xf32, #tpu.memory_space<hbm>> -> memref<512x32xf32, #tpu.memory_space<hbm>>
    %dma_start3A_129 = arith.constant 0 : i32
    %dma_start3A_130 = tpu.memref_slice %arg4[%shift_right_arithmetic3A_125, %mul3A_123, %dma_start3A_129] : memref<200x4096x32xf32, #tpu.memory_space<hbm>> -> memref<1x512x32xf32, #tpu.memory_space<hbm>>
    %dma_start3A_131 = tpu.memref_squeeze %dma_start3A_130 : memref<1x512x32xf32, #tpu.memory_space<hbm>> -> memref<512x32xf32, #tpu.memory_space<hbm>>
    tpu.enqueue_dma source(%arg7 : memref<512x32xf32, #tpu.memory_space<vmem>>) target(%dma_start3A_131 : memref<512x32xf32, #tpu.memory_space<hbm>>) target_semaphore(%arg11 : memref<!tpu.dma_semaphore, #tpu.memory_space<semaphore_mem>>)
    %dma_wait3A_132 = arith.constant 0 : i32
    %dma_wait3A_133 = tpu.memref_slice %arg4[%shift_right_arithmetic3A_125, %mul3A_123, %dma_wait3A_132] : memref<200x4096x32xf32, #tpu.memory_space<hbm>> -> memref<1x512x32xf32, #tpu.memory_space<hbm>>
    %dma_wait3A_134 = tpu.memref_squeeze %dma_wait3A_133 : memref<1x512x32xf32, #tpu.memory_space<hbm>> -> memref<512x32xf32, #tpu.memory_space<hbm>>
    %dma_wait3A_135 = arith.constant 0 : i32
    %dma_wait3A_136 = tpu.memref_slice %arg4[%shift_right_arithmetic3A_125, %mul3A_123, %dma_wait3A_135] : memref<200x4096x32xf32, #tpu.memory_space<hbm>> -> memref<1x512x32xf32, #tpu.memory_space<hbm>>
    %dma_wait3A_137 = tpu.memref_squeeze %dma_wait3A_136 : memref<1x512x32xf32, #tpu.memory_space<hbm>> -> memref<512x32xf32, #tpu.memory_space<hbm>>
    tpu.wait_dma2 semaphore(%arg11 : memref<!tpu.dma_semaphore, #tpu.memory_space<semaphore_mem>>) src(%arg7 : memref<512x32xf32, #tpu.memory_space<vmem>>) dst(%dma_wait3A_137 : memref<512x32xf32, #tpu.memory_space<hbm>>)
    return
  }
}

module attributes {stable_mosaic.version = 14 : i64} {
  func.func @_reals_body(%arg0: memref<4096x100xf32, #tpu.memory_space<vmem>>, %arg1: memref<1x100xf32, #tpu.memory_space<vmem>>, %arg2: memref<1x100xf32, #tpu.memory_space<vmem>>, %arg3: memref<4096x100xf32, #tpu.memory_space<vmem>>) attributes {dimension_semantics = [], scalar_prefetch = 0 : i64, scratch_operands = 0 : i64, tpu.core_type = #tpu.core_type<tc>} {
    %get3A = arith.constant 0 : index
    %get3A_0 = arith.constant 0 : index
    %get3A_1 = vector.load %arg0[%get3A, %get3A_0] : memref<4096x100xf32, #tpu.memory_space<vmem>>, vector<4096x100xf32>
    %get3A_2 = arith.constant 0 : index
    %get3A_3 = arith.constant 0 : index
    %get3A_4 = vector.load %arg1[%get3A_2, %get3A_3] : memref<1x100xf32, #tpu.memory_space<vmem>>, vector<1x100xf32>
    %sub3A = vector.broadcast %get3A_4 : vector<1x100xf32> to vector<4096x100xf32>
    %sub3A_5 = arith.subf %get3A_1, %sub3A : vector<4096x100xf32>
    %get3A_6 = arith.constant 0 : index
    %get3A_7 = arith.constant 0 : index
    %get3A_8 = vector.load %arg2[%get3A_6, %get3A_7] : memref<1x100xf32, #tpu.memory_space<vmem>>, vector<1x100xf32>
    %sqrt3A = math.sqrt %get3A_8 : vector<1x100xf32>
    %div3A = vector.broadcast %sqrt3A : vector<1x100xf32> to vector<4096x100xf32>
    %div3A_9 = arith.divf %sub3A_5, %div3A : vector<4096x100xf32>
    %swap3A = arith.constant 0 : index
    %swap3A_10 = arith.constant 0 : index
    %swap3A_11 = vector.load %arg3[%swap3A, %swap3A_10] : memref<4096x100xf32, #tpu.memory_space<vmem>>, vector<4096x100xf32>
    tpu.vector_store %arg3[%swap3A, %swap3A_10], %div3A_9 {strides = array<i32>} : memref<4096x100xf32, #tpu.memory_space<vmem>>, vector<4096x100xf32>,
    return
  }
}

module attributes {stable_mosaic.version = 14 : i64} {
  func.func @_card_tc_body(%arg0: i32, %arg1: memref<1x4096x32xf32, #tpu.memory_space<vmem>>, %arg2: memref<1x16x4096xf32, #tpu.memory_space<vmem>>, %arg3: memref<16x1xf32, #tpu.memory_space<vmem>>, %arg4: memref<16x1xf32, #tpu.memory_space<vmem>>, %arg5: memref<1x48x4096xf32, #tpu.memory_space<vmem>>) attributes {dimension_semantics = [#tpu.dimension_semantics<arbitrary>], iteration_bounds = array<i64: 200>, scalar_prefetch = 0 : i64, scratch_operands = 0 : i64, tpu.core_type = #tpu.core_type<tc>, window_params = [{transform_indices = @transform_0, window_bounds = array<i64: 1, 4096, 32>}, {transform_indices = @transform_1, window_bounds = array<i64: 1, 16, 4096>}, {pipeline_mode = #tpu.pipeline_mode<synchronous>, transform_indices = @transform_2, window_bounds = array<i64: 16, 1>}, {pipeline_mode = #tpu.pipeline_mode<synchronous>, transform_indices = @transform_3, window_bounds = array<i64: 16, 1>}, {transform_indices = @transform_4, window_bounds = array<i64: 1, 48, 4096>}]} {
    %get3A = arith.constant 0 : index
    %get3A_0 = arith.constant 0 : index
    %get3A_1 = arith.constant 0 : index
    %get3A_2 = vector.load %arg1[%get3A, %get3A_0, %get3A_1] : memref<1x4096x32xf32, #tpu.memory_space<vmem>>, vector<1x4096x32xf32>
    %get3A_3 = vector.shape_cast %get3A_2 : vector<1x4096x32xf32> to vector<4096x32xf32>
    %iota3A = tpu.iota {dimensions = array<i32: 0>} : vector<32x32xi32>
    %iota3A_4 = tpu.iota {dimensions = array<i32: 1>} : vector<32x32xi32>
    %add3A = arith.constant 0 : i32
    %add3A_5 = vector.broadcast %add3A : i32 to vector<32x32xi32>
    %add3A_6 = arith.addi %iota3A, %add3A_5 : vector<32x32xi32>
    %eq3A = arith.cmpi eq, %add3A_6, %iota3A_4 : vector<32x32xi32>
    %convert_element_type3A = arith.extui %eq3A : vector<32x32xi1> to vector<32x32xi32>
    %convert_element_type3A_7 = arith.sitofp %convert_element_type3A : vector<32x32xi32> to vector<32x32xf32>
    %dot_general3A = arith.constant dense<0.000000e+00> : vector<32x4096xf32>
    %dot_general3A_8 = tpu.matmul %convert_element_type3A_7, %get3A_3, %dot_general3A {dimension_numbers = #tpu.dot_dimension_numbers<[1], [1], [0], [0], [0, 0, 1, 0], [], []>, transpose_lhs_hint = false} : vector<32x32xf32>, vector<4096x32xf32>, vector<32x4096xf32> -> vector<32x4096xf32>
    %swap3A = arith.constant 0 : index
    %swap3A_9 = arith.constant 0 : index
    %swap3A_10 = arith.constant 0 : index
    %swap3A_11 = vector.load %arg5[%swap3A, %swap3A_9, %swap3A_10] : memref<1x48x4096xf32, #tpu.memory_space<vmem>>, vector<1x32x4096xf32>
    %swap3A_12 = vector.shape_cast %swap3A_11 : vector<1x32x4096xf32> to vector<32x4096xf32>
    %swap3A_13 = vector.shape_cast %dot_general3A_8 : vector<32x4096xf32> to vector<1x32x4096xf32>
    tpu.vector_store %arg5[%swap3A, %swap3A_9, %swap3A_10], %swap3A_13 {strides = array<i32>} : memref<1x48x4096xf32, #tpu.memory_space<vmem>>, vector<1x32x4096xf32>,
    %get3A_14 = arith.constant 0 : index
    %get3A_15 = arith.constant 0 : index
    %get3A_16 = arith.constant 0 : index
    %get3A_17 = vector.load %arg2[%get3A_14, %get3A_15, %get3A_16] : memref<1x16x4096xf32, #tpu.memory_space<vmem>>, vector<1x16x4096xf32>
    %get3A_18 = vector.shape_cast %get3A_17 : vector<1x16x4096xf32> to vector<16x4096xf32>
    %get3A_19 = arith.constant 0 : index
    %get3A_20 = arith.constant 0 : index
    %get3A_21 = vector.load %arg3[%get3A_19, %get3A_20] : memref<16x1xf32, #tpu.memory_space<vmem>>, vector<16x1xf32>
    %mul3A = vector.broadcast %get3A_21 : vector<16x1xf32> to vector<16x4096xf32>
    %mul3A_22 = arith.mulf %get3A_18, %mul3A : vector<16x4096xf32>
    %get3A_23 = arith.constant 0 : index
    %get3A_24 = arith.constant 0 : index
    %get3A_25 = vector.load %arg4[%get3A_23, %get3A_24] : memref<16x1xf32, #tpu.memory_space<vmem>>, vector<16x1xf32>
    %add3A_26 = vector.broadcast %get3A_25 : vector<16x1xf32> to vector<16x4096xf32>
    %add3A_27 = arith.addf %mul3A_22, %add3A_26 : vector<16x4096xf32>
    %swap3A_28 = arith.constant 0 : index
    %swap3A_29 = arith.constant 32 : index
    %swap3A_30 = arith.constant 0 : index
    %swap3A_31 = vector.load %arg5[%swap3A_28, %swap3A_29, %swap3A_30] : memref<1x48x4096xf32, #tpu.memory_space<vmem>>, vector<1x16x4096xf32>
    %swap3A_32 = vector.shape_cast %swap3A_31 : vector<1x16x4096xf32> to vector<16x4096xf32>
    %swap3A_33 = vector.shape_cast %add3A_27 : vector<16x4096xf32> to vector<1x16x4096xf32>
    tpu.vector_store %arg5[%swap3A_28, %swap3A_29, %swap3A_30], %swap3A_33 {strides = array<i32>} : memref<1x48x4096xf32, #tpu.memory_space<vmem>>, vector<1x16x4096xf32>,
    return
  }
  func.func @transform_0(%arg0: i32) -> (i32, i32, i32) {
    %c0_i32 = arith.constant 0 : i32
    %c0_i32_0 = arith.constant 0 : i32
    %c0_i32_1 = arith.constant 0 : i32
    return %arg0, %c0_i32, %c0_i32_0 : i32, i32, i32
  }
  func.func @transform_1(%arg0: i32) -> (i32, i32, i32) {
    %c0_i32 = arith.constant 0 : i32
    %c0_i32_0 = arith.constant 0 : i32
    %c0_i32_1 = arith.constant 0 : i32
    return %arg0, %c0_i32, %c0_i32_0 : i32, i32, i32
  }
  func.func @transform_2(%arg0: i32) -> (i32, i32) {
    %c0_i32 = arith.constant 0 : i32
    %c0_i32_0 = arith.constant 0 : i32
    %c0_i32_1 = arith.constant 0 : i32
    return %c0_i32, %c0_i32_0 : i32, i32
  }
  func.func @transform_3(%arg0: i32) -> (i32, i32) {
    %c0_i32 = arith.constant 0 : i32
    %c0_i32_0 = arith.constant 0 : i32
    %c0_i32_1 = arith.constant 0 : i32
    return %c0_i32, %c0_i32_0 : i32, i32
  }
  func.func @transform_4(%arg0: i32) -> (i32, i32, i32) {
    %c0_i32 = arith.constant 0 : i32
    %c0_i32_0 = arith.constant 0 : i32
    %c0_i32_1 = arith.constant 0 : i32
    return %arg0, %c0_i32, %c0_i32_0 : i32, i32, i32
  }
}

</mosaic_0001>

<sc_bundles>
// kernel: kernel.6.cloned.1.call-start
scs
__scs_entry_jumppad:
0x0: {  	(pc) =	sbr.rel $0x88, $3  }
0x1: {  	(tag) =	ssettag $0x0;
	lr =	simm.s32 $0x1  }
0x2: {  	[smem:$0x3F97] =	sst lr;
	_ =	strace $0xD0000000  }
0x3: {  	_ = 	snop  }
0x4: {  	_ = 	snop  }
0x5: {  	_ = 	snop  }
0x6: {  	_ = 	snop  }
0x7: {  	_ = 	snop  }
__scs_overlays_trampoline_lowered:
0x8: {  	[smem:$0x3FA6] =	sst s0  }
0x9: {  	[smem:$0x3FA7] =	sst s1  }
0xa: {  	[smem:$0x3FA8] =	sst s2  }
0xb: {  	[smem:$0x3FA9] =	sst s3  }
0xc: {  	[smem:$0x3FAA] =	sst s4  }
0xd: {  	[smem:$0x3FAB] =	sst s5  }
0xe: {  	[smem:$0x3FAC] =	sst s6  }
0xf: {  	[smem:$0x3FAD] =	sst s7  }
0x10: {  	[smem:$0x3FAE] =	sst s8  }
0x11: {  	[smem:$0x3FAF] =	sst s9;
	s0 =	simm.s32 @!p0 $0x0  }
0x12: {  	s1 =	sld [smem:$0x3F95];
	s0 =	simm.s32 @p0 $0x1  }
0x13: {  	[smem:$0x3FB0] =	sst s0;
	s0 =	simm.s32 @!p1 $0x0  }
0x14: {  	s2 =	sld [smem:$0x3F94];
	s0 =	simm.s32 @p1 $0x1  }
0x15: {  	[smem:$0x3FB1] =	sst s0;
	s0 =	simm.s32 @!p2 $0x0  }
0x16: {  	s3 =	sld [smem:$0x3FDB];
	s0 =	simm.s32 @p2 $0x1  }
0x17: {  	s4 =	simm.s32 $0x1BF5;
	[smem:$0x3FB3] =	sst s0  }
0x18: {  	s0 =	sld [smem:$0x3F96];
	_ =	swait.ge [sflag:s4], $0x0  }
0x19: {  	s7 =	sld [smem:$0x3F97]  }
0x1a: {  	s8 =	sadd.s32 $0xFFFFE003, lr  }
0x1b: {  	s9 =	sadd.s32 $0xFFFFFEF7, lr;
	s5 =	simm.s32 $0xFFFFFFFF;
	p2 =	slt.u32 s8, $0xFFFFF086  }
0x1c: {  	p1 =	slt.u32 s9, $0xF7A;
	s5 =	simm.s32 @!p2 $0x0  }
0x1d: {  	s5 =	simm.s32 @p1 $0x1;
	p0 =	seq.s32 s7, s2  }
0x1e: {  	s7 =	smul.u32 @!p0 $0xF7A, s2;
	p2 =	seq.s32 @!p0 s5, $0x0  }
0x1f: {  	s9 =	smul.u32 $0xF7A, s1;
	s8 =	simm.s32 @!p0 $0x1BF5;
	p2 =	por !p2, p0  }
0x20: {  	[sflag:s8] =	ssyncset.s32 @!p0 $0xFFFFF086;
	s6 =	sadd.s32 @!p0 s3, s7;
	s7 =	simm.s32 @!p0 $0x108  }
0x21: {  	s3 =	sadd.s32 s3, s9;
	s6 =	sadd.s32 @!p0 $0x88, s6;
	s7 =	simm.s32 @p2 $0x1082  }
0x22: {  	[simem:s7], [sflag:s8] =	dma.local @!p0 [hbm:s6], $0xF7A  }
0x23: {  	s9 =	sor.u32 $0xD0000000, s2;
	s6 =	simm.s32 $0x108;
	_ =	swait.ge @!p0 [sflag:s8], $0x0  }
0x24: {  	s3 =	sadd.s32 $0x88, s3;
	s6 =	simm.s32 @!p1 $0x1082;
	[sflag:s4] =	ssyncset.s32 $0xFFFFF086  }
0x25: {  	[simem:s6], [sflag:s4] =	dma.local [hbm:s3], $0xF7A  }
0x26: {  	[smem:$0x3F97] =	sst s1;
	(tag) =	ssettag s2;
	_ =	strace s9  }
0x27: {  	s1 =	sld [smem:$0x3FA7]  }
0x28: {  	s2 =	sld [smem:$0x3FA8]  }
0x29: {  	s4 =	sld [smem:$0x3FAA]  }
0x2a: {  	p0 =	seq.s32 s5, $0x0;
	s5 =	sld [smem:$0x3FAB]  }
0x2b: {  	s6 =	sld [smem:$0x3FAC]  }
0x2c: {  	s7 =	sld [smem:$0x3FAD]  }
0x2d: {  	s3 =	simm.s32 $0x108;
	s8 =	sld [smem:$0x3FAE]  }
0x2e: {  	s3 =	simm.s32 @!p0 $0x1082;
	s9 =	sld [smem:$0x3FAF]  }
0x2f: {  	lr =	sadd.s32 s0, s3;
	s0 =	sld [smem:$0x3FA6]  }
0x30: {  	s3 =	sld [smem:$0x3FA9]  }
0x31: {  	[smem:$0x3FB2] =	sst s10  }
0x32: {  	s10 =	sld [smem:$0x3FB0];
	_ =	sdelay $0x3  }
0x33: {  	p0 =	seq.s32 s10, $0x1;
	s10 =	sld [smem:$0x3FB2];
	_ =	sdelay $0x3  }
0x34: {  	[smem:$0x3FB2] =	sst s10  }
0x35: {  	s10 =	sld [smem:$0x3FB1];
	_ =	sdelay $0x3  }
0x36: {  	p1 =	seq.s32 s10, $0x1;
	s10 =	sld [smem:$0x3FB2];
	_ =	sdelay $0x3  }
0x37: {  	[smem:$0x3FB2] =	sst s10  }
0x38: {  	s10 =	sld [smem:$0x3FB3]  }
0x39: {  	_ = 	snop;
	(pc) =	sbr.ind lr, $3  }
0x3a: {  	_ = 	snop  }
0x3b: {  	_ = 	snop  }
0x3c: {  	p2 =	seq.s32 s10, $0x1;
	s10 =	sld [smem:$0x3FB2]  }
0x3d: {  	_ =	shalt  }
0x3e: {  	_ =	shalt  }
0x3f: {  	_ =	shalt  }
0x40: {  	_ =	shalt  }
0x41: {  	_ =	shalt  }
0x42: {  	_ =	shalt  }
0x43: {  	_ =	shalt  }
0x44: {  	_ =	shalt  }
0x45: {  	_ =	shalt  }
0x46: {  	_ =	shalt  }
0x47: {  	_ =	shalt  }
0x48: {  	_ =	shalt  }
0x49: {  	_ =	shalt  }
0x4a: {  	_ =	shalt  }
0x4b: {  	_ =	shalt  }
0x4c: {  	_ =	shalt  }
0x4d: {  	_ =	shalt  }
0x4e: {  	_ =	shalt  }
0x4f: {  	_ =	shalt  }
0x50: {  	_ =	shalt  }
0x51: {  	_ =	shalt  }
0x52: {  	_ =	shalt  }
0x53: {  	_ =	shalt  }
0x54: {  	_ =	shalt  }
0x55: {  	_ =	shalt  }
0x56: {  	_ =	shalt  }
0x57: {  	_ =	shalt  }
0x58: {  	_ =	shalt  }
0x59: {  	_ =	shalt  }
0x5a: {  	_ =	shalt  }
0x5b: {  	_ =	shalt  }
0x5c: {  	_ =	shalt  }
0x5d: {  	_ =	shalt  }
0x5e: {  	_ =	shalt  }
0x5f: {  	_ =	shalt  }
0x60: {  	_ =	shalt  }
0x61: {  	_ =	shalt  }
0x62: {  	_ =	shalt  }
0x63: {  	_ =	shalt  }
0x64: {  	_ =	shalt  }
0x65: {  	_ =	shalt  }
0x66: {  	_ =	shalt  }
0x67: {  	_ =	shalt  }
0x68: {  	_ =	shalt  }
0x69: {  	_ =	shalt  }
0x6a: {  	_ =	shalt  }
0x6b: {  	_ =	shalt  }
0x6c: {  	_ =	shalt  }
0x6d: {  	_ =	shalt  }
0x6e: {  	_ =	shalt  }
0x6f: {  	_ =	shalt  }
0x70: {  	_ =	shalt  }
0x71: {  	_ =	shalt  }
0x72: {  	_ =	shalt  }
0x73: {  	_ =	shalt  }
0x74: {  	_ =	shalt  }
0x75: {  	_ =	shalt  }
0x76: {  	_ =	shalt  }
0x77: {  	_ =	shalt  }
0x78: {  	_ =	shalt  }
0x79: {  	_ =	shalt  }
0x7a: {  	_ =	shalt  }
0x7b: {  	_ =	shalt  }
0x7c: {  	_ =	shalt  }
0x7d: {  	_ =	shalt  }
0x7e: {  	_ =	shalt  }
0x7f: {  	_ =	shalt  }
0x80: {  	_ =	shalt  }
0x81: {  	_ =	shalt  }
0x82: {  	_ =	shalt  }
0x83: {  	_ =	shalt  }
0x84: {  	_ =	shalt  }
0x85: {  	_ =	shalt  }
0x86: {  	_ =	shalt  }
0x87: {  	_ =	shalt  }
.Lfunc_end0:
.L_simem_size_0:
called_computation_lowered:
.L_overlay_start_0:
0x88: {  	s2 =	sld [smem:$0x3FD9]  }
0x89: {  	s3 =	sld [smem:$0x3FFE];
	_ =	sdelay $0x1  }
0x8a: {  	s1 =	srdreg.scid  }
0x8b: {  	s0 =	sand.u32 $0x1, s1  }
0x8c: {  	s14 =	sshll.u32 s0, $0xA;
	s2 =	sadd.s32 s3, s2  }
0x8d: {  	s2 =	sadd.s32 s2, s14  }
0x8e: {  	[smem:$0x3FBE] =	sst s2  }
0x8f: {  	_ = 	snop  }
0x90: {  	s2 =	sld [smem:$0x3FD0];
	_ =	sdelay $0x2  }
0x91: {  	s15 =	simm.s32 $0xB;
	s4 =	simm.s32 $0x10  }
0x92: {  	[smem:s4], [sflag:s15] =	dma.local [hbm:s2], $0x1  }
0x93: {  	_ =	swait.eq [sflag:s15], $0x1  }
0x94: {  	[sflag:s15] =	ssyncset.done $0x0  }
0x95: {  	[sflag:s15] =	ssyncadd.s32 $0xFFFFFFFF  }
0x96: {  	s16 =	sld [smem:$0x11];
	(tm) =	ssettm $0x1  }
0x97: {  	s17 =	sld [smem:$0x3FFB];
	_ =	sdelay $0x3  }
0x98: {  	_ =	strace s17  }
0x99: {  	s3 =	sld [smem:$0x3FFC];
	_ =	sdelay $0x3  }
0x9a: {  	_ =	strace s3  }
0x9b: {  	s3 =	sld [smem:$0x3FFD];
	_ =	sdelay $0x3  }
0x9c: {  	_ =	strace s3  }
0x9d: {  	_ =	strace $0x8FFFFFFF  }
0x9e: {  	s18 =	sld [smem:$0x3FDB];
	_ =	sdelay $0x1  }
0x9f: {  	s19 =	simm.s32 $_scs_section_size  }
0xa0: {  	s5 =	simm.s32 $_size__tile_overlayer_lowered;
	s6 =	simm.s32 $_tile_overlayer_lowered  }
0xa1: {  	s22 =	simm.s32 $0x1BFF;
	s21 =	sshll.u32 s6, $0x1;
	s3 =	sadd.s32 s19, s18  }
0xa2: {  	s7 =	simm.s32 $0x0;
	s20 =	sshll.u32 s5, $0x1;
	s5 =	sadd.s32 s21, s3  }
0xa3: {  	[timem:s7], [sflag:s22] =	dma.local [hbm:s5], s20  }
0xa4: {  	_ =	swait.ge [sflag:s22], s20  }
0xa5: {  	s4 =	ssub.s32 $0x0, s20;
	[sflag:s22] =	ssyncset.done $0x0  }
0xa6: {  	[sflag:s22] =	ssyncadd.s32 s4;
	_ =	sdelay $0x1  }
0xa7: {  	s23 =	simm.s32 $0x1B8B  }
0xa8: {  	_ =	swait.ge [sflag:s23], $0x1  }
0xa9: {  	[sflag:s23] =	ssyncset.done $0x0  }
0xaa: {  	s25 =	simm.s32 $0x1B8E;
	s24 =	sld [smem:$0x3FFE];
	[sflag:s23] =	ssyncadd.s32 $0xFFFFFFFF  }
0xab: {  	s26 =	simm.s32 $execute0_lowered;
	[smem:$0x3FD2] =	sst s25  }
0xac: {  	s5 =	sshll.u32 s26, $0x1;
	_ =	strace $0x80000046;
	[dreg:$0x1] =	wrdreg $0xFFFFFFFF  }
0xad: {  	s28 =	simm.s32 $_size_execute0_lowered;
	s3 =	sadd.s32 s3, s5;
	[dreg:$0x0] =	wrdreg $0x0  }
0xae: {  	s5 =	sshll.u32 s28, $0x1;
	[dreg:$0x2] =	wrdreg s3  }
0xaf: {  	[dreg:$0x3] =	wrdreg s5  }
0xb0: {  	[dreg:$0x4] =	wrdreg $0xC0  }
0xb1: {  	_ =	task [dreg:s7], $0x5FFFF  }
0xb2: {  	[dreg:$0x1] =	wrdreg $0xFFFFFFFF  }
0xb3: {  	[dreg:$0x0] =	wrdreg $0x60  }
0xb4: {  	[dreg:$0x2] =	wrdreg s24  }
0xb5: {  	[dreg:$0x3] =	wrdreg s16  }
0xb6: {  	[dreg:$0x4] =	wrdreg $0x9  }
0xb7: {  	_ =	task.clear_ibuf [dreg:s7], $0x5FFFF;
	_ =	strace $0x90000046  }
0xb8: {  	s29 =	simm.s32 $0x9;
	_ =	strace $0x80000048  }
0xb9: {  	_ =	swait.ge [sflag:s29], $0x1  }
0xba: {  	[sflag:s29] =	ssyncadd.s32 $0xFFFFFFFF  }
0xbb: {  	_ =	strace $0x90000048  }
0xbc: {  	_ =	sfence  }
0xbd: {  	s30 =	sld [smem:$0x0];
	_ =	sdelay $0x2  }
0xbe: {  	s31 =	sshll.u32 s1, $0xD;
	s1 =	sshrl.u32 s1, $0x2  }
0xbf: {  	s3 =	sand.u32 $0x4000, s31;
	s1 =	sadd.s32 s1, s30  }
0xc0: {  	s0 =	sor.u32 s3, s0;
	s1 =	sshll.u32 s1, $0x11  }
0xc1: {  	s0 =	sor.u32 s1, s0  }
0xc2: {  	s0 =	sadd.s32 $0x8F2B, s0  }
0xc3: {  	[sflag:s0] =	ssyncadd.remote.s32 $0x1  }
0xc4: {  	_ =	sfence.sel $0xFFFF  }
0xc5: {  	[dreg:$0x0] =	wrdreg $0xFFFFFFFF;
	(pc) =	sbr.abs _section_cstart, $3  }
0xc6: {  	[dreg:$0x1] =	wrdreg $0xFFFFFFFF  }
0xc7: {  	_ =	task.clear_ibuf [dreg:s7], $0x2FFFF;
	_ =	strace $0x9FFFFFFF  }
0xc8: {  	(tm) =	ssettm $0x7FFFFFFF  }
0xc9: {  	_ =	shalt  }
tec
execute0_lowered:
.L_overlay_start_1:
0x0: {  	(tag) =	ssettag $0x1  }
0x1: {  	s0 =	srdreg.scid;
	s1 =	rddreg [dreg:$0x0]  }
0x2: {  	s11 =	stileid.u32;
	s7 =	rddreg [dreg:$0x1]  }
0x3: {  	s12 =	simm.s32 $0x6400;
	s13 =	simm.s32 $0x7400;
	s15 =	simm.s32 $0x8400  }
0x4: {  	s17 =	simm.s32 $0x9400;
	s18 =	simm.s32 $0x200;
	s28 =	simm.s32 $0x3  }
0x5: {  	s29 =	simm.s32 $0x2;
	s30 =	simm.s32 $0x4;
	s21 =	smul.u32 $0x64, s11  }
0x6: {  	s0 =	sand.u32 $0x1, s0;
	s2 =	sshll.u32 s11, $0x1;
	s24 =	smul.u32 $0x32000, s11  }
0x7: {  	s31 =	simm.s32 $0x0;
	s3 =	sor.u32 s0, s2;
	s10 =	smul.u32 $0x32, s0  }
0x8: {  	s2 =	simm.s32 $0x0;
	s20 =	ssub.s32 $0x2, s0;
	s0 =	smul.u32 $0x19000, s0  }
0x9: {  	s11 =	simm.s32 $0x80;
	s6 =	smul.u32 $0xC8000, s3;
	[smem:$0x7FF] =	sst s2  }
0xa: {  	s4 =	smul.u32 $0xC80, s3;
	s3 =	sshll.u32 s3, $0xF;
	s9 =	sshrl.u32 s20, $0x1  }
0xb: {  	s26 =	sadd.s32 s24, s7;
	s24 =	simm.s32 $0x380;
	_ =	strace $0x80000047  }
0xc: {  	s8 =	sand.u32 $0x18000, s3;
	s3 =	sadd.s32 $0xF5CA00, s1;
	s9 =	ssub.s32 s20, s9  }
0xd: {  	s23 =	sadd.s32 s10, s21;
	s20 =	simm.s32 $0x280;
	s21 =	simm.s32 $0xB400  }
0xe: {  	s5 =	sand.u32 $0x1FE0000, s6;
	s4 =	sadd.s32 s4, s1;
	s22 =	sshrl.u32 s6, $0x3  }
0xf: {  	s10 =	sshll.u32 s23, $0xB;
	s23 =	simm.s32 $0xC400;
	s19 =	sor.u32 s8, s5  }
0x10: {  	s4 =	sadd.s32 $0x1600, s4;
	s25 =	sadd.s32 s10, s7;
	s1 =	sadd.s32 $0xC0000, s19  }
0x11: {  	s10 =	simm.s32 $0x5;
	s8 =	sadd.s32 $0x800, s25;
	s1 =	sshrl.u32 s1, $0x3  }
0x12: {  	s19 =	simm.s32 $0xA400;
	s25 =	simm.s32 $0xD400;
	s5 =	sadd.s32 s7, s1  }
0x13: {  	s1 =	sadd.s32 s7, s22;
	s7 =	smax.u32 s9, $0x1;
	s9 =	sadd.s32 s0, s26  }
0x14: {  	s22 =	simm.s32 $0x300;
	s26 =	simm.s32 $0x1;
	s6 =	sadd.s32 $0x18800, s1  }
.LBB2_1:
0x15: {  	[tilespmem:s2], [sflag:$0x5] =	stream.linear.gather [hbm4b:s4+s2], $0x6400, $0x38;
	[tilespmem:$0xE400] =	vst v63  }
0x16: {  	_ =	swait.ge [sflag:s10], $0x6400  }
0x17: {  	[sflag:s10] =	ssyncset.done $0x0  }
0x18: {  	[sflag:s10] =	ssyncadd.s32 $0xFFFF9C00  }
0x19: {  	[tilespmem:s12], [sflag:$0x1] =	stream.indirect.gather [hbm4b:s3+s11], $0x20, s2, s11, $0xb8;
	[tilespmem:$0xE400] =	vst v63  }
0x1a: {  	_ = 	snop  }
0x1b: {  	[tilespmem:s13], [sflag:$0x1] =	stream.indirect.gather [hbm4b:s3+s11], $0x20, s11, s11, $0xb8;
	[tilespmem:$0xE400] =	vst v63  }
0x1c: {  	s0 =	simm.s32 $0x100  }
0x1d: {  	[tilespmem:s15], [sflag:$0x1] =	stream.indirect.gather [hbm4b:s3+s11], $0x20, s0, s11, $0xb8;
	[tilespmem:$0xE400] =	vst v63  }
0x1e: {  	s16 =	simm.s32 $0x180  }
0x1f: {  	[tilespmem:s17], [sflag:$0x1] =	stream.indirect.gather [hbm4b:s3+s11], $0x20, s16, s11, $0xb8;
	[tilespmem:$0xE400] =	vst v63  }
0x20: {  	_ = 	snop  }
0x21: {  	[tilespmem:s19], [sflag:$0x2] =	stream.indirect.gather [hbm4b:s3+s11], $0x20, s18, s11, $0xb8;
	[tilespmem:$0xE400] =	vst v63  }
0x22: {  	_ = 	snop  }
0x23: {  	[tilespmem:s21], [sflag:$0x2] =	stream.indirect.gather [hbm4b:s3+s11], $0x20, s20, s11, $0xb8;
	[tilespmem:$0xE400] =	vst v63  }
0x24: {  	_ = 	snop  }
0x25: {  	[tilespmem:s23], [sflag:$0x2] =	stream.indirect.gather [hbm4b:s3+s11], $0x20, s22, s11, $0xb8;
	[tilespmem:$0xE400] =	vst v63  }
0x26: {  	_ = 	snop  }
0x27: {  	[tilespmem:s25], [sflag:$0x2] =	stream.indirect.gather [hbm4b:s3+s11], $0x20, s24, s11, $0xb8;
	[tilespmem:$0xE400] =	vst v63  }
0x28: {  	_ =	swait.ge [sflag:s26], $0x4000  }
0x29: {  	[sflag:s26] =	ssyncset.done $0x0  }
0x2a: {  	s1 =	sadd.s32 $0x0, s9;
	[sflag:s26] =	ssyncadd.s32 $0xFFFFC000  }
0x2b: {  	[hbm4b:s1+s2] =	stream.linear.scatter [tilespmem:s12], [sflag:$0x3], $0x4000, $0x38;
	[tilespmem:$0xE400] =	vst v63  }
0x2c: {  	_ =	swait.ge [sflag:s28], $0x4000  }
0x2d: {  	[sflag:s28] =	ssyncset.done $0x0  }
0x2e: {  	s14 =	simm.s32 $0x400;
	[sflag:s28] =	ssyncadd.s32 $0xFFFFC000  }
0x2f: {  	[tilespmem:s12], [sflag:$0x1] =	stream.indirect.gather [hbm4b:s3+s11], $0x20, s14, s11, $0xb8;
	[tilespmem:$0xE400] =	vst v63  }
0x30: {  	s16 =	simm.s32 $0x480  }
0x31: {  	[tilespmem:s13], [sflag:$0x1] =	stream.indirect.gather [hbm4b:s3+s11], $0x20, s16, s11, $0xb8;
	[tilespmem:$0xE400] =	vst v63  }
0x32: {  	s1 =	simm.s32 $0x500  }
0x33: {  	[tilespmem:s15], [sflag:$0x1] =	stream.indirect.gather [hbm4b:s3+s11], $0x20, s1, s11, $0xb8;
	[tilespmem:$0xE400] =	vst v63  }
0x34: {  	s14 =	simm.s32 $0x580  }
0x35: {  	[tilespmem:s17], [sflag:$0x1] =	stream.indirect.gather [hbm4b:s3+s11], $0x20, s14, s11, $0xb8;
	[tilespmem:$0xE400] =	vst v63  }
0x36: {  	_ =	swait.ge [sflag:s29], $0x4000  }
0x37: {  	[sflag:s29] =	ssyncset.done $0x0  }
0x38: {  	s16 =	sadd.s32 $0x0, s8;
	[sflag:s29] =	ssyncadd.s32 $0xFFFFC000  }
0x39: {  	[hbm4b:s16+s2] =	stream.linear.scatter [tilespmem:s19], [sflag:$0x4], $0x4000, $0x38;
	[tilespmem:$0xE400] =	vst v63  }
0x3a: {  	_ =	swait.ge [sflag:s30], $0x4000  }
0x3b: {  	[sflag:s30] =	ssyncset.done $0x0  }
0x3c: {  	s1 =	simm.s32 $0x600;
	[sflag:s30] =	ssyncadd.s32 $0xFFFFC000  }
0x3d: {  	[tilespmem:s19], [sflag:$0x2] =	stream.indirect.gather [hbm4b:s3+s11], $0x20, s1, s11, $0xb8;
	[tilespmem:$0xE400] =	vst v63  }
0x3e: {  	s14 =	simm.s32 $0x680  }
0x3f: {  	[tilespmem:s21], [sflag:$0x2] =	stream.indirect.gather [hbm4b:s3+s11], $0x20, s14, s11, $0xb8;
	[tilespmem:$0xE400] =	vst v63  }
0x40: {  	s0 =	simm.s32 $0x780;
	s16 =	simm.s32 $0x700;
	s1 =	simm.s32 $0x1000  }
0x41: {  	[tilespmem:s23], [sflag:$0x2] =	stream.indirect.gather [hbm4b:s3+s11], $0x20, s16, s11, $0xb8;
	[tilespmem:$0xE400] =	vst v63  }
.LBB2_2:
0x42: {  	[tilespmem:s25], [sflag:$0x2] =	stream.indirect.gather [hbm4b:s3+s11], $0x20, s0, s11, $0xb8;
	[tilespmem:$0xE400] =	vst v63  }
0x43: {  	s0 =	smov.u32 s1  }
0x44: {  	p0 =	sne.s32 s1, $0x17000;
	s1 =	sadd.s32 $0x1000, s1;
	_ =	swait.ge [sflag:s26], $0x4000  }
0x45: {  	[sflag:s26] =	ssyncset.done $0x0  }
0x46: {  	s14 =	sadd.s32 s0, s9;
	[sflag:s26] =	ssyncadd.s32 $0xFFFFC000  }
0x47: {  	[hbm4b:s14+s2] =	stream.linear.scatter [tilespmem:s12], [sflag:$0x3], $0x4000, $0x38;
	[tilespmem:$0xE400] =	vst v63  }
0x48: {  	_ =	swait.ge [sflag:s28], $0x4000  }
0x49: {  	s14 =	sshra.s32 s0, $0x2;
	[sflag:s28] =	ssyncset.done $0x0  }
0x4a: {  	s16 =	sadd.s32 $0x400, s14;
	[sflag:s28] =	ssyncadd.s32 $0xFFFFC000  }
0x4b: {  	[tilespmem:s12], [sflag:$0x1] =	stream.indirect.gather [hbm4b:s3+s11], $0x20, s16, s11, $0xb8;
	[tilespmem:$0xE400] =	vst v63  }
0x4c: {  	s16 =	sadd.s32 $0x480, s14  }
0x4d: {  	[tilespmem:s13], [sflag:$0x1] =	stream.indirect.gather [hbm4b:s3+s11], $0x20, s16, s11, $0xb8;
	[tilespmem:$0xE400] =	vst v63  }
0x4e: {  	s16 =	sadd.s32 $0x500, s14  }
0x4f: {  	[tilespmem:s15], [sflag:$0x1] =	stream.indirect.gather [hbm4b:s3+s11], $0x20, s16, s11, $0xb8;
	[tilespmem:$0xE400] =	vst v63  }
0x50: {  	s16 =	sadd.s32 $0x580, s14  }
0x51: {  	[tilespmem:s17], [sflag:$0x1] =	stream.indirect.gather [hbm4b:s3+s11], $0x20, s16, s11, $0xb8;
	[tilespmem:$0xE400] =	vst v63  }
0x52: {  	_ =	swait.ge [sflag:s29], $0x4000  }
0x53: {  	[sflag:s29] =	ssyncset.done $0x0  }
0x54: {  	s0 =	sadd.s32 s0, s8;
	[sflag:s29] =	ssyncadd.s32 $0xFFFFC000  }
0x55: {  	[hbm4b:s0+s2] =	stream.linear.scatter [tilespmem:s19], [sflag:$0x4], $0x4000, $0x38;
	[tilespmem:$0xE400] =	vst v63  }
0x56: {  	_ =	swait.ge [sflag:s30], $0x4000  }
0x57: {  	[sflag:s30] =	ssyncset.done $0x0  }
0x58: {  	s0 =	sadd.s32 $0x600, s14;
	[sflag:s30] =	ssyncadd.s32 $0xFFFFC000  }
0x59: {  	[tilespmem:s19], [sflag:$0x2] =	stream.indirect.gather [hbm4b:s3+s11], $0x20, s0, s11, $0xb8;
	[tilespmem:$0xE400] =	vst v63  }
.Ltmp0:
0x5a: {  	s0 =	sadd.s32 $0x680, s14;
	(pc) =	sbr.rel @p0 .LBB2_2-.Ltmp0, $4  }
0x5b: {  	[tilespmem:s21], [sflag:$0x2] =	stream.indirect.gather [hbm4b:s3+s11], $0x20, s0, s11, $0xb8;
	[tilespmem:$0xE400] =	vst v63  }
0x5c: {  	s0 =	sadd.s32 $0x700, s14  }
0x5d: {  	[tilespmem:s23], [sflag:$0x2] =	stream.indirect.gather [hbm4b:s3+s11], $0x20, s0, s11, $0xb8;
	[tilespmem:$0xE400] =	vst v63  }
0x5e: {  	s0 =	sadd.s32 $0x780, s14  }
0x5f: {  	[tilespmem:s25], [sflag:$0x2] =	stream.indirect.gather [hbm4b:s3+s11], $0x20, s0, s11, $0xb8;
	[tilespmem:$0xE400] =	vst v63  }
0x60: {  	_ =	swait.ge [sflag:s26], $0x4000  }
0x61: {  	[sflag:s26] =	ssyncset.done $0x0  }
0x62: {  	[sflag:s26] =	ssyncadd.s32 $0xFFFFC000  }
0x63: {  	[hbm4b:s5+s2] =	stream.linear.scatter [tilespmem:s12], [sflag:$0x3], $0x4000, $0x38;
	[tilespmem:$0xE400] =	vst v63  }
0x64: {  	_ =	swait.ge [sflag:s28], $0x4000  }
0x65: {  	[sflag:s28] =	ssyncset.done $0x0  }
0x66: {  	[sflag:s28] =	ssyncadd.s32 $0xFFFFC000  }
0x67: {  	s31 =	sadd.s32 $0x1, s31;
	_ =	swait.ge [sflag:s29], $0x4000  }
0x68: {  	p0 =	sne.s32 s31, s7;
	[sflag:s29] =	ssyncset.done $0x0  }
.Ltmp1:
0x69: {  	[sflag:s29] =	ssyncadd.s32 $0xFFFFC000;
	(pc) =	sbr.rel @p0 .LBB2_1-.Ltmp1, $4  }
0x6a: {  	[hbm4b:s6+s2] =	stream.linear.scatter [tilespmem:s19], [sflag:$0x4], $0x4000, $0x38;
	[tilespmem:$0xE400] =	vst v63  }
0x6b: {  	_ =	swait.ge [sflag:s30], $0x4000  }
0x6c: {  	[sflag:s30] =	ssyncset.done $0x0  }
0x6d: {  	[sflag:s30] =	ssyncadd.s32 $0xFFFFC000  }
0x6e: {  	_ =	sfence.sel $0x180000  }
0x6f: {  	[bflag:$0x0] =	sbarrier.arrive $0xFFFF  }
0x70: {  	_ =	strace $0x90000047  }
0x71: {  	s0 =	stileid.u32;
	[bflag:$0x2] =	sbarrier.arrive $0xFFFF  }
0x72: {  	p0 =	sne.s32 s0, $0x0;
	s0 =	rddreg [dreg:$0x2]  }
0x73: {  	s0 =	sadd.s32 @!p0 $0x100000, s0  }
0x74: {  	[sflag:s0] =	ssyncadd.tile.s32 @!p0 $0x1;
	_ =	shalt  }
.Lfunc_end2:
_tile_overlayer_lowered:
.L_overlay_start_2:
0x75: {  	(tag) =	ssettag $0x2  }
0x76: {  	s0 =	rddreg [dreg:$0x0];
	s2 =	stileid.u32  }
0x77: {  	s1 =	rddreg [dreg:$0x1];
	p0 =	sne.s32 s2, $0x0  }
0x78: {  	s3 =	rddreg [dreg:$0x2];
	[bflag:$0x3] =	sbarrier.arrive $0xFFFF;
	s2 =	simm.s32 @!p0 $0x1C05  }
0x79: {  	[timem:s3], [sflag:s2] =	dma.local @!p0 [hbm:s0], s1  }
0x7a: {  	s0 =	simm.s32 @!p0 $0x5  }
0x7b: {  	_ =	swait.ge @!p0 [sflag:s0], s1  }
0x7c: {  	s1 =	ssub.s32 @!p0 $0x0, s1;
	[sflag:s0] =	ssyncset.done @!p0 $0x0  }
0x7d: {  	[sflag:s0] =	ssyncadd.s32 @!p0 s1  }
0x7e: {  	[bflag:$0x3] =	sbarrier.arrive $0xFFFF  }
0x7f: {  	_ =	shalt  }

// kernel: kernel.9.cloned.1.call-start
scs
__scs_entry_jumppad:
0x0: {  	(pc) =	sbr.rel $0x88, $3  }
0x1: {  	(tag) =	ssettag $0x0;
	lr =	simm.s32 $0x1  }
0x2: {  	[smem:$0x3F97] =	sst lr;
	_ =	strace $0xD0000000  }
0x3: {  	_ = 	snop  }
0x4: {  	_ = 	snop  }
0x5: {  	_ = 	snop  }
0x6: {  	_ = 	snop  }
0x7: {  	_ = 	snop  }
__scs_overlays_trampoline_lowered:
0x8: {  	[smem:$0x3FA6] =	sst s0  }
0x9: {  	[smem:$0x3FA7] =	sst s1  }
0xa: {  	[smem:$0x3FA8] =	sst s2  }
0xb: {  	[smem:$0x3FA9] =	sst s3  }
0xc: {  	[smem:$0x3FAA] =	sst s4  }
0xd: {  	[smem:$0x3FAB] =	sst s5  }
0xe: {  	[smem:$0x3FAC] =	sst s6  }
0xf: {  	[smem:$0x3FAD] =	sst s7  }
0x10: {  	[smem:$0x3FAE] =	sst s8  }
0x11: {  	[smem:$0x3FAF] =	sst s9;
	s0 =	simm.s32 @!p0 $0x0  }
0x12: {  	s1 =	sld [smem:$0x3F95];
	s0 =	simm.s32 @p0 $0x1  }
0x13: {  	[smem:$0x3FB0] =	sst s0;
	s0 =	simm.s32 @!p1 $0x0  }
0x14: {  	s2 =	sld [smem:$0x3F94];
	s0 =	simm.s32 @p1 $0x1  }
0x15: {  	[smem:$0x3FB1] =	sst s0;
	s0 =	simm.s32 @!p2 $0x0  }
0x16: {  	s3 =	sld [smem:$0x3FDB];
	s0 =	simm.s32 @p2 $0x1  }
0x17: {  	s4 =	simm.s32 $0x1BF5;
	[smem:$0x3FB3] =	sst s0  }
0x18: {  	s0 =	sld [smem:$0x3F96];
	_ =	swait.ge [sflag:s4], $0x0  }
0x19: {  	s7 =	sld [smem:$0x3F97]  }
0x1a: {  	s8 =	sadd.s32 $0xFFFFE003, lr  }
0x1b: {  	s9 =	sadd.s32 $0xFFFFFEF7, lr;
	s5 =	simm.s32 $0xFFFFFFFF;
	p2 =	slt.u32 s8, $0xFFFFF086  }
0x1c: {  	p1 =	slt.u32 s9, $0xF7A;
	s5 =	simm.s32 @!p2 $0x0  }
0x1d: {  	s5 =	simm.s32 @p1 $0x1;
	p0 =	seq.s32 s7, s2  }
0x1e: {  	s7 =	smul.u32 @!p0 $0xF7A, s2;
	p2 =	seq.s32 @!p0 s5, $0x0  }
0x1f: {  	s9 =	smul.u32 $0xF7A, s1;
	s8 =	simm.s32 @!p0 $0x1BF5;
	p2 =	por !p2, p0  }
0x20: {  	[sflag:s8] =	ssyncset.s32 @!p0 $0xFFFFF086;
	s6 =	sadd.s32 @!p0 s3, s7;
	s7 =	simm.s32 @!p0 $0x108  }
0x21: {  	s3 =	sadd.s32 s3, s9;
	s6 =	sadd.s32 @!p0 $0x88, s6;
	s7 =	simm.s32 @p2 $0x1082  }
0x22: {  	[simem:s7], [sflag:s8] =	dma.local @!p0 [hbm:s6], $0xF7A  }
0x23: {  	s9 =	sor.u32 $0xD0000000, s2;
	s6 =	simm.s32 $0x108;
	_ =	swait.ge @!p0 [sflag:s8], $0x0  }
0x24: {  	s3 =	sadd.s32 $0x88, s3;
	s6 =	simm.s32 @!p1 $0x1082;
	[sflag:s4] =	ssyncset.s32 $0xFFFFF086  }
0x25: {  	[simem:s6], [sflag:s4] =	dma.local [hbm:s3], $0xF7A  }
0x26: {  	[smem:$0x3F97] =	sst s1;
	(tag) =	ssettag s2;
	_ =	strace s9  }
0x27: {  	s1 =	sld [smem:$0x3FA7]  }
0x28: {  	s2 =	sld [smem:$0x3FA8]  }
0x29: {  	s4 =	sld [smem:$0x3FAA]  }
0x2a: {  	p0 =	seq.s32 s5, $0x0;
	s5 =	sld [smem:$0x3FAB]  }
0x2b: {  	s6 =	sld [smem:$0x3FAC]  }
0x2c: {  	s7 =	sld [smem:$0x3FAD]  }
0x2d: {  	s3 =	simm.s32 $0x108;
	s8 =	sld [smem:$0x3FAE]  }
0x2e: {  	s3 =	simm.s32 @!p0 $0x1082;
	s9 =	sld [smem:$0x3FAF]  }
0x2f: {  	lr =	sadd.s32 s0, s3;
	s0 =	sld [smem:$0x3FA6]  }
0x30: {  	s3 =	sld [smem:$0x3FA9]  }
0x31: {  	[smem:$0x3FB2] =	sst s10  }
0x32: {  	s10 =	sld [smem:$0x3FB0];
	_ =	sdelay $0x3  }
0x33: {  	p0 =	seq.s32 s10, $0x1;
	s10 =	sld [smem:$0x3FB2];
	_ =	sdelay $0x3  }
0x34: {  	[smem:$0x3FB2] =	sst s10  }
0x35: {  	s10 =	sld [smem:$0x3FB1];
	_ =	sdelay $0x3  }
0x36: {  	p1 =	seq.s32 s10, $0x1;
	s10 =	sld [smem:$0x3FB2];
	_ =	sdelay $0x3  }
0x37: {  	[smem:$0x3FB2] =	sst s10  }
0x38: {  	s10 =	sld [smem:$0x3FB3]  }
0x39: {  	_ = 	snop;
	(pc) =	sbr.ind lr, $3  }
0x3a: {  	_ = 	snop  }
0x3b: {  	_ = 	snop  }
0x3c: {  	p2 =	seq.s32 s10, $0x1;
	s10 =	sld [smem:$0x3FB2]  }
0x3d: {  	_ =	shalt  }
0x3e: {  	_ =	shalt  }
0x3f: {  	_ =	shalt  }
0x40: {  	_ =	shalt  }
0x41: {  	_ =	shalt  }
0x42: {  	_ =	shalt  }
0x43: {  	_ =	shalt  }
0x44: {  	_ =	shalt  }
0x45: {  	_ =	shalt  }
0x46: {  	_ =	shalt  }
0x47: {  	_ =	shalt  }
0x48: {  	_ =	shalt  }
0x49: {  	_ =	shalt  }
0x4a: {  	_ =	shalt  }
0x4b: {  	_ =	shalt  }
0x4c: {  	_ =	shalt  }
0x4d: {  	_ =	shalt  }
0x4e: {  	_ =	shalt  }
0x4f: {  	_ =	shalt  }
0x50: {  	_ =	shalt  }
0x51: {  	_ =	shalt  }
0x52: {  	_ =	shalt  }
0x53: {  	_ =	shalt  }
0x54: {  	_ =	shalt  }
0x55: {  	_ =	shalt  }
0x56: {  	_ =	shalt  }
0x57: {  	_ =	shalt  }
0x58: {  	_ =	shalt  }
0x59: {  	_ =	shalt  }
0x5a: {  	_ =	shalt  }
0x5b: {  	_ =	shalt  }
0x5c: {  	_ =	shalt  }
0x5d: {  	_ =	shalt  }
0x5e: {  	_ =	shalt  }
0x5f: {  	_ =	shalt  }
0x60: {  	_ =	shalt  }
0x61: {  	_ =	shalt  }
0x62: {  	_ =	shalt  }
0x63: {  	_ =	shalt  }
0x64: {  	_ =	shalt  }
0x65: {  	_ =	shalt  }
0x66: {  	_ =	shalt  }
0x67: {  	_ =	shalt  }
0x68: {  	_ =	shalt  }
0x69: {  	_ =	shalt  }
0x6a: {  	_ =	shalt  }
0x6b: {  	_ =	shalt  }
0x6c: {  	_ =	shalt  }
0x6d: {  	_ =	shalt  }
0x6e: {  	_ =	shalt  }
0x6f: {  	_ =	shalt  }
0x70: {  	_ =	shalt  }
0x71: {  	_ =	shalt  }
0x72: {  	_ =	shalt  }
0x73: {  	_ =	shalt  }
0x74: {  	_ =	shalt  }
0x75: {  	_ =	shalt  }
0x76: {  	_ =	shalt  }
0x77: {  	_ =	shalt  }
0x78: {  	_ =	shalt  }
0x79: {  	_ =	shalt  }
0x7a: {  	_ =	shalt  }
0x7b: {  	_ =	shalt  }
0x7c: {  	_ =	shalt  }
0x7d: {  	_ =	shalt  }
0x7e: {  	_ =	shalt  }
0x7f: {  	_ =	shalt  }
0x80: {  	_ =	shalt  }
0x81: {  	_ =	shalt  }
0x82: {  	_ =	shalt  }
0x83: {  	_ =	shalt  }
0x84: {  	_ =	shalt  }
0x85: {  	_ =	shalt  }
0x86: {  	_ =	shalt  }
0x87: {  	_ =	shalt  }
.Lfunc_end0:
.L_simem_size_0:
called_computation.1_lowered:
.L_overlay_start_0:
0x88: {  	s2 =	sld [smem:$0x3FD9]  }
0x89: {  	s3 =	sld [smem:$0x3FFE];
	_ =	sdelay $0x1  }
0x8a: {  	s1 =	srdreg.scid  }
0x8b: {  	s0 =	sand.u32 $0x1, s1  }
0x8c: {  	s15 =	sshll.u32 s0, $0xA;
	s2 =	sadd.s32 s3, s2  }
0x8d: {  	s2 =	sadd.s32 s2, s15  }
0x8e: {  	[smem:$0x3FBE] =	sst s2  }
0x8f: {  	_ = 	snop  }
0x90: {  	s2 =	sld [smem:$0x3FD0];
	_ =	sdelay $0x2  }
0x91: {  	s16 =	simm.s32 $0xB;
	s4 =	simm.s32 $0x10  }
0x92: {  	[smem:s4], [sflag:s16] =	dma.local [hbm:s2], $0x1  }
0x93: {  	_ =	swait.eq [sflag:s16], $0x1  }
0x94: {  	[sflag:s16] =	ssyncset.done $0x0  }
0x95: {  	[sflag:s16] =	ssyncadd.s32 $0xFFFFFFFF  }
0x96: {  	s17 =	sld [smem:$0x12];
	(tm) =	ssettm $0x1  }
0x97: {  	s18 =	sld [smem:$0x3FFB];
	_ =	sdelay $0x3  }
0x98: {  	_ =	strace s18  }
0x99: {  	s2 =	sld [smem:$0x3FFC];
	_ =	sdelay $0x3  }
0x9a: {  	_ =	strace s2  }
0x9b: {  	s2 =	sld [smem:$0x3FFD];
	_ =	sdelay $0x3  }
0x9c: {  	_ =	strace s2  }
0x9d: {  	_ =	strace $0x8FFFFFFF  }
0x9e: {  	s19 =	sld [smem:$0x3FDB];
	_ =	sdelay $0x1  }
0x9f: {  	s20 =	simm.s32 $_scs_section_size  }
0xa0: {  	s5 =	simm.s32 $_size__tile_overlayer_lowered;
	s6 =	simm.s32 $_tile_overlayer_lowered  }
0xa1: {  	s7 =	simm.s32 $0x1BFF;
	s21 =	sshll.u32 s6, $0x1;
	s4 =	sadd.s32 s20, s19  }
0xa2: {  	s22 =	simm.s32 $0x0;
	s5 =	sshll.u32 s5, $0x1;
	s6 =	sadd.s32 s21, s4  }
0xa3: {  	[timem:s22], [sflag:s7] =	dma.local [hbm:s6], s5  }
0xa4: {  	_ =	swait.ge [sflag:s7], s5  }
0xa5: {  	s5 =	ssub.s32 $0x0, s5;
	[sflag:s7] =	ssyncset.done $0x0  }
0xa6: {  	[sflag:s7] =	ssyncadd.s32 s5;
	_ =	sdelay $0x1  }
0xa7: {  	s23 =	simm.s32 $0x1B8B  }
0xa8: {  	_ =	swait.ge [sflag:s23], $0x1  }
0xa9: {  	[sflag:s23] =	ssyncset.done $0x0  }
0xaa: {  	[sflag:s23] =	ssyncadd.s32 $0xFFFFFFFF  }
0xab: {  	s5 =	sld [smem:$0x0]  }
0xac: {  	s6 =	sand.u32 $0xFFFFFFFE, s1  }
0xad: {  	p0 =	sne.s32 s1, s6  }
0xae: {  	s6 =	sshll.u32 @p0 s6, $0xE  }
0xaf: {  	s6 =	sadd.s32 @p0 $0x11B8D, s6;
	s7 =	sshll.u32 @p0 s5, $0x11  }
0xb0: {  	s6 =	sor.u32 @p0 s7, s6  }
0xb1: {  	[sflag:s6] =	ssyncadd.remote.s32 @p0 $0x1;
	_ =	sdelay $0x1  }
0xb2: {  	s6 =	simm.s32 @p0 $0x1B8D  }
0xb3: {  	_ =	swait.eq @p0 [sflag:s6], $0x1  }
0xb4: {  	[sflag:s6] =	ssyncadd.s32 @p0 $0xFFFFFFFF  }
0xb5: {  	s7 =	sshll.u32 @!p0 s1, $0xE  }
0xb6: {  	s7 =	sor.u32 @!p0 $0x4000, s7;
	s6 =	simm.s32 @!p0 $0x1B8D  }
0xb7: {  	s5 =	sshll.u32 @!p0 s5, $0x11;
	s7 =	sadd.s32 @!p0 $0x11B8D, s7;
	_ =	swait.eq @!p0 [sflag:s6], $0x1  }
0xb8: {  	s5 =	sor.u32 @!p0 s5, s7;
	[sflag:s6] =	ssyncadd.s32 @!p0 $0xFFFFFFFF  }
0xb9: {  	s25 =	simm.s32 $0x1B8E;
	s24 =	sld [smem:$0x3FFE];
	[sflag:s5] =	ssyncadd.remote.s32 @!p0 $0x1  }
0xba: {  	s26 =	simm.s32 $execute0_lowered;
	[smem:$0x3FD2] =	sst s25  }
0xbb: {  	s6 =	sshll.u32 s26, $0x1;
	_ =	strace $0x80000049;
	[dreg:$0x1] =	wrdreg $0xFFFFFFFF  }
0xbc: {  	s28 =	simm.s32 $_size_execute0_lowered;
	s4 =	sadd.s32 s4, s6;
	[dreg:$0x0] =	wrdreg $0x0  }
0xbd: {  	s6 =	sshll.u32 s28, $0x1;
	[dreg:$0x2] =	wrdreg s4  }
0xbe: {  	[dreg:$0x3] =	wrdreg s6  }
0xbf: {  	[dreg:$0x4] =	wrdreg $0xC0  }
0xc0: {  	_ =	task [dreg:s22], $0x5FFFF  }
0xc1: {  	[dreg:$0x1] =	wrdreg $0xFFFFFFFF  }
0xc2: {  	[dreg:$0x0] =	wrdreg $0x60  }
0xc3: {  	[dreg:$0x2] =	wrdreg s24  }
0xc4: {  	[dreg:$0x3] =	wrdreg s17  }
0xc5: {  	[dreg:$0x4] =	wrdreg $0xA  }
0xc6: {  	_ =	task.clear_ibuf [dreg:s22], $0x5FFFF;
	_ =	strace $0x90000049  }
0xc7: {  	s29 =	simm.s32 $0xA;
	_ =	strace $0x8000004B  }
0xc8: {  	_ =	swait.ge [sflag:s29], $0x1  }
0xc9: {  	[sflag:s29] =	ssyncadd.s32 $0xFFFFFFFF  }
0xca: {  	_ =	strace $0x9000004B  }
0xcb: {  	_ =	sfence  }
0xcc: {  	s30 =	sld [smem:$0x0];
	_ =	sdelay $0x2  }
0xcd: {  	s31 =	sshll.u32 s1, $0xD;
	s1 =	sshrl.u32 s1, $0x2  }
0xce: {  	s4 =	sand.u32 $0x4000, s31;
	s1 =	sadd.s32 s1, s30  }
0xcf: {  	s0 =	sor.u32 s4, s0;
	s1 =	sshll.u32 s1, $0x11  }
0xd0: {  	s0 =	sor.u32 s1, s0  }
0xd1: {  	s0 =	sadd.s32 $0x8F2B, s0  }
0xd2: {  	[sflag:s0] =	ssyncadd.remote.s32 $0x1  }
0xd3: {  	_ =	sfence.sel $0xFFFF  }
0xd4: {  	[dreg:$0x0] =	wrdreg $0xFFFFFFFF;
	(pc) =	sbr.abs _section_cstart, $3  }
0xd5: {  	[dreg:$0x1] =	wrdreg $0xFFFFFFFF  }
0xd6: {  	_ =	task.clear_ibuf [dreg:s22], $0x2FFFF;
	_ =	strace $0x9FFFFFFF  }
0xd7: {  	(tm) =	ssettm $0x7FFFFFFF  }
tec
execute0_lowered:
.L_overlay_start_1:
0x0: {  	(tag) =	ssettag $0x1  }
0x1: {  	s0 =	srdreg.scid;
	s1 =	rddreg [dreg:$0x0]  }
0x2: {  	s11 =	stileid.u32;
	s2 =	rddreg [dreg:$0x1]  }
0x3: {  	s5 =	simm.s32 $0x0;
	s13 =	simm.s32 $0x80;
	s20 =	smul.u32 $0x190, s11  }
0x4: {  	s14 =	simm.s32 $0x6400;
	s28 =	simm.s32 $0xB400;
	s10 =	smul.u32 $0x190000, s11  }
0x5: {  	s29 =	simm.s32 $0x1;
	s0 =	sand.u32 $0x1, s0;
	s23 =	smul.u32 $0x640000, s11  }
0x6: {  	s30 =	simm.s32 $0x20;
	s31 =	simm.s32 $0x3;
	s9 =	smul.u32 $0xC8, s0  }
0x7: {  	s3 =	sshll.u32 s11, $0x1;
	[smem:$0x7FF] =	sst s5;
	s22 =	smul.u32 $0xC8000, s0  }
0x8: {  	s3 =	sor.u32 s0, s3;
	s15 =	ssub.s32 $0x2, s0;
	s0 =	smul.u32 $0x320000, s0  }
0x9: {  	_ =	strace $0x8000004A;
	s4 =	smul.u32 $0xC80, s3;
	s8 =	sshrl.u32 s15, $0x1  }
0xa: {  	s6 =	smul.u32 $0x32, s3;
	s3 =	sshll.u32 s3, $0x11;
	s16 =	ssub.s32 s15, s8  }
0xb: {  	s3 =	sand.u32 $0x60000, s3;
	s25 =	sadd.s32 s9, s20;
	s26 =	sadd.s32 s22, s10  }
0xc: {  	s0 =	sadd.s32 s0, s23;
	s23 =	simm.s32 $0xD400;
	s7 =	sadd.s32 s4, s1  }
0xd: {  	s4 =	sadd.s32 $0xF5CA00, s1;
	s17 =	sadd.s32 $0x30, s6;
	[dreg:$0x7] =	wrdreg s25  }
0xe: {  	s6 =	sadd.s32 $0x31, s6;
	s1 =	smax.u32 s16, $0x1;
	[dreg:$0x8] =	wrdreg s26  }
0xf: {  	[dreg:$0x9] =	wrdreg s0;
	s0 =	simm.s32 $0x4;
	s7 =	sadd.s32 $0x1A600, s7  }
0x10: {  	s18 =	sshll.u32 s17, $0xE;
	s5 =	sshll.u32 s17, $0x2;
	s19 =	sshll.u32 s6, $0xE  }
0x11: {  	s21 =	sshll.u32 s6, $0x10;
	[dreg:$0x3] =	wrdreg s7;
	s7 =	sand.u32 $0x3F80000, s18  }
0x12: {  	s6 =	sshll.u32 s6, $0x2;
	s5 =	sand.u32 $0x60, s5;
	s3 =	sor.u32 s3, s7  }
0x13: {  	s8 =	sand.u32 $0x70000, s21;
	s3 =	sor.u32 s5, s3;
	s5 =	sand.u32 $0x3F80000, s19  }
0x14: {  	s25 =	simm.s32 $0x9400;
	s6 =	sand.u32 $0x60, s6;
	s5 =	sor.u32 s8, s5  }
0x15: {  	[dreg:$0x6] =	wrdreg s1;
	s3 =	sshrl.u32 s3, $0x3;
	s5 =	sor.u32 s6, s5  }
0x16: {  	s1 =	simm.s32 $0x2;
	s3 =	sadd.s32 s2, s3;
	s24 =	sshrl.u32 s5, $0x3  }
0x17: {  	s21 =	simm.s32 $0xA400;
	[dreg:$0x4] =	wrdreg s3;
	s3 =	sadd.s32 s2, s24  }
0x18: {  	s19 =	simm.s32 $0xC400;
	s5 =	simm.s32 $0x0;
	[dreg:$0x5] =	wrdreg s3  }
.LBB2_1:
0x19: {  	[dreg:$0xa] =	wrdreg s5  }
0x1a: {  	s3 =	simm.s32 $0x0;
	s15 =	rddreg [dreg:$0x3];
	s16 =	simm.s32 $0x5  }
0x1b: {  	[tilespmem:s3], [sflag:$0x5] =	stream.linear.gather [hbm4b:s15+s3], $0x6400, $0x38;
	[tilespmem:$0xE400] =	vst v63  }
0x1c: {  	_ =	swait.ge [sflag:s16], $0x6400  }
0x1d: {  	[sflag:s16] =	ssyncset.done $0x0  }
0x1e: {  	[sflag:s16] =	ssyncadd.s32 $0xFFFF9C00  }
0x1f: {  	[tilespmem:s14], [sflag:$0x1] =	stream.indirect.gather [hbm4b:s4+s13], $0x20, s3, s13, $0xb8;
	[tilespmem:$0xE400] =	vst v63  }
0x20: {  	s11 =	simm.s32 $0x7400  }
0x21: {  	[tilespmem:s11], [sflag:$0x1] =	stream.indirect.gather [hbm4b:s4+s13], $0x20, s13, s13, $0xb8;
	[tilespmem:$0xE400] =	vst v63  }
0x22: {  	s17 =	simm.s32 $0x100;
	s12 =	simm.s32 $0x8400  }
0x23: {  	[tilespmem:s12], [sflag:$0x1] =	stream.indirect.gather [hbm4b:s4+s13], $0x20, s17, s13, $0xb8;
	[tilespmem:$0xE400] =	vst v63  }
0x24: {  	s18 =	simm.s32 $0x180;
	s15 =	simm.s32 $0x9400  }
0x25: {  	[tilespmem:s15], [sflag:$0x1] =	stream.indirect.gather [hbm4b:s4+s13], $0x20, s18, s13, $0xb8;
	[tilespmem:$0xE400] =	vst v63  }
0x26: {  	s20 =	simm.s32 $0x200;
	s22 =	simm.s32 $0x280;
	s7 =	rddreg [dreg:$0x8]  }
0x27: {  	[tilespmem:s21], [sflag:$0x2] =	stream.indirect.gather [hbm4b:s4+s13], $0x20, s20, s13, $0xb8;
	[tilespmem:$0xE400] =	vst v63  }
0x28: {  	s24 =	simm.s32 $0x300;
	s26 =	simm.s32 $0x380;
	s8 =	rddreg [dreg:$0x9]  }
0x29: {  	[tilespmem:s28], [sflag:$0x2] =	stream.indirect.gather [hbm4b:s4+s13], $0x20, s22, s13, $0xb8;
	[tilespmem:$0xE400] =	vst v63  }
0x2a: {  	s10 =	rddreg [dreg:$0x7];
	s5 =	sand.u32 $0x7FF80000, s7;
	s6 =	sand.u32 $0x60000, s8  }
0x2b: {  	[tilespmem:s19], [sflag:$0x2] =	stream.indirect.gather [hbm4b:s4+s13], $0x20, s24, s13, $0xb8;
	[tilespmem:$0xE400] =	vst v63  }
0x2c: {  	s9 =	sadd.s32 $0x4000, s7;
	s3 =	sor.u32 s6, s5;
	s6 =	sand.u32 $0x60, s10  }
0x2d: {  	[tilespmem:s23], [sflag:$0x2] =	stream.indirect.gather [hbm4b:s4+s13], $0x20, s26, s13, $0xb8;
	[tilespmem:$0xE400] =	vst v63  }
0x2e: {  	s5 =	sand.u32 $0x7FF80000, s9;
	s3 =	sor.u32 s6, s3;
	_ =	swait.ge [sflag:s29], $0x4000  }
0x2f: {  	s9 =	simm.s32 $0x400;
	s3 =	sshrl.u32 s3, $0x3;
	[sflag:s29] =	ssyncset.done $0x0  }
0x30: {  	s6 =	sadd.s32 $0x10000, s8;
	s3 =	sadd.s32 s2, s3;
	[sflag:s29] =	ssyncadd.s32 $0xFFFFC000  }
0x31: {  	[hbm4b:s3+s30] =	stream.strided.scatter [tilespmem:s14], [sflag:$0x3], $0x4000, s13, s30, $0x38;
	[tilespmem:$0xE400] =	vst v63  }
0x32: {  	s20 =	simm.s32 $0x1000;
	s22 =	sadd.s32 $0x8000, s7;
	_ =	swait.ge [sflag:s31], $0x4000  }
0x33: {  	s7 =	simm.s32 $0x480;
	s16 =	sand.u32 $0x7FF80000, s22;
	[sflag:s31] =	ssyncset.done $0x0  }
0x34: {  	s18 =	sadd.s32 $0x4000, s22;
	s24 =	sadd.s32 $0x20000, s8;
	[sflag:s31] =	ssyncadd.s32 $0xFFFFC000  }
0x35: {  	[tilespmem:s14], [sflag:$0x1] =	stream.indirect.gather [hbm4b:s4+s13], $0x20, s9, s13, $0xb8;
	[tilespmem:$0xE400] =	vst v63  }
0x36: {  	s18 =	sand.u32 $0x7FF80000, s18;
	s8 =	sand.u32 $0x70000, s6;
	s17 =	sand.u32 $0x60000, s24  }
0x37: {  	[tilespmem:s11], [sflag:$0x1] =	stream.indirect.gather [hbm4b:s4+s13], $0x20, s7, s13, $0xb8;
	[tilespmem:$0xE400] =	vst v63  }
0x38: {  	s26 =	sor.u32 s17, s16;
	s9 =	sadd.s32 $0x4, s10;
	s11 =	simm.s32 $0x500  }
0x39: {  	[tilespmem:s12], [sflag:$0x1] =	stream.indirect.gather [hbm4b:s4+s13], $0x20, s11, s13, $0xb8;
	[tilespmem:$0xE400] =	vst v63  }
0x3a: {  	s17 =	simm.s32 $0x580;
	s3 =	sor.u32 s8, s5;
	s16 =	sand.u32 $0x60, s9  }
0x3b: {  	[tilespmem:s15], [sflag:$0x1] =	stream.indirect.gather [hbm4b:s4+s13], $0x20, s17, s13, $0xb8;
	[tilespmem:$0xE400] =	vst v63  }
0x3c: {  	s6 =	simm.s32 $0x780;
	s3 =	sor.u32 s16, s3;
	_ =	swait.ge [sflag:s1], $0x4000  }
0x3d: {  	s5 =	sadd.s32 $0x10000, s24;
	s3 =	sshrl.u32 s3, $0x3;
	[sflag:s1] =	ssyncset.done $0x0  }
0x3e: {  	s8 =	simm.s32 $0x600;
	s3 =	sadd.s32 s2, s3;
	[sflag:s1] =	ssyncadd.s32 $0xFFFFC000  }
0x3f: {  	[hbm4b:s3+s30] =	stream.strided.scatter [tilespmem:s21], [sflag:$0x4], $0x4000, s13, s30, $0x38;
	[tilespmem:$0xE400] =	vst v63  }
0x40: {  	s9 =	simm.s32 $0x680;
	s7 =	simm.s32 $0x2000;
	_ =	swait.ge [sflag:s0], $0x4000  }
0x41: {  	s12 =	simm.s32 $0x700;
	s3 =	sadd.s32 $0x8, s10;
	[sflag:s0] =	ssyncset.done $0x0  }
.LBB2_2:
0x42: {  	s22 =	sadd.s32 $0x8000, s22  }
0x43: {  	s24 =	sadd.s32 $0x20000, s24;
	[sflag:s0] =	ssyncadd.s32 $0xFFFFC000;
	s10 =	smov.u32 s7  }
0x44: {  	[tilespmem:s21], [sflag:$0x2] =	stream.indirect.gather [hbm4b:s4+s13], $0x20, s8, s13, $0xb8;
	[tilespmem:$0xE400] =	vst v63  }
0x45: {  	s16 =	sand.u32 $0x60, s3;
	s8 =	sand.u32 $0x7FF80000, s22;
	s11 =	sand.u32 $0x60000, s24  }
0x46: {  	[tilespmem:s28], [sflag:$0x2] =	stream.indirect.gather [hbm4b:s4+s13], $0x20, s9, s13, $0xb8;
	[tilespmem:$0xE400] =	vst v63  }
0x47: {  	s16 =	sor.u32 s16, s26;
	s26 =	sor.u32 s11, s8;
	s9 =	sadd.s32 $0x4000, s22  }
0x48: {  	[tilespmem:s19], [sflag:$0x2] =	stream.indirect.gather [hbm4b:s4+s13], $0x20, s12, s13, $0xb8;
	[tilespmem:$0xE400] =	vst v63  }
0x49: {  	s11 =	sshrl.u32 s16, $0x3;
	s9 =	sand.u32 $0x7FF80000, s9;
	s12 =	sshra.s32 s20, $0x2  }
0x4a: {  	[tilespmem:s23], [sflag:$0x2] =	stream.indirect.gather [hbm4b:s4+s13], $0x20, s6, s13, $0xb8;
	[tilespmem:$0xE400] =	vst v63  }
0x4b: {  	s16 =	sadd.s32 $0x400, s12;
	s6 =	sadd.s32 $0x780, s12;
	_ =	swait.ge [sflag:s29], $0x4000  }
0x4c: {  	s15 =	sadd.s32 $0x10000, s24;
	s8 =	sadd.s32 $0x600, s12;
	[sflag:s29] =	ssyncset.done $0x0  }
0x4d: {  	p0 =	sne.s32 s7, $0x17000;
	s7 =	sadd.s32 $0x1000, s7;
	[sflag:s29] =	ssyncadd.s32 $0xFFFFC000  }
0x4e: {  	s11 =	sadd.s32 s2, s11;
	s20 =	smov.u32 s10;
	s17 =	sadd.s32 $0x480, s12  }
0x4f: {  	[hbm4b:s11+s30] =	stream.strided.scatter [tilespmem:s14], [sflag:$0x3], $0x4000, s13, s30, $0x38;
	[tilespmem:$0xE400] =	vst v63  }
0x50: {  	s5 =	sand.u32 $0x70000, s5;
	_ =	swait.ge [sflag:s31], $0x4000  }
0x51: {  	s5 =	sor.u32 s5, s18;
	s10 =	sadd.s32 $0x4, s3;
	[sflag:s31] =	ssyncset.done $0x0  }
0x52: {  	s18 =	smov.u32 s9;
	s10 =	sand.u32 $0x60, s10;
	[sflag:s31] =	ssyncadd.s32 $0xFFFFC000  }
0x53: {  	[tilespmem:s14], [sflag:$0x1] =	stream.indirect.gather [hbm4b:s4+s13], $0x20, s16, s13, $0xb8;
	[tilespmem:$0xE400] =	vst v63  }
0x54: {  	s9 =	simm.s32 $0x7400;
	s10 =	sor.u32 s10, s5;
	s5 =	smov.u32 s15  }
0x55: {  	[tilespmem:s9], [sflag:$0x1] =	stream.indirect.gather [hbm4b:s4+s13], $0x20, s17, s13, $0xb8;
	[tilespmem:$0xE400] =	vst v63  }
0x56: {  	s10 =	sshrl.u32 s10, $0x3;
	s11 =	simm.s32 $0x8400;
	s9 =	sadd.s32 $0x500, s12  }
0x57: {  	[tilespmem:s11], [sflag:$0x1] =	stream.indirect.gather [hbm4b:s4+s13], $0x20, s9, s13, $0xb8;
	[tilespmem:$0xE400] =	vst v63  }
0x58: {  	s9 =	sadd.s32 $0x580, s12  }
0x59: {  	[tilespmem:s25], [sflag:$0x1] =	stream.indirect.gather [hbm4b:s4+s13], $0x20, s9, s13, $0xb8;
	[tilespmem:$0xE400] =	vst v63  }
0x5a: {  	_ =	swait.ge [sflag:s1], $0x4000  }
.Ltmp0:
0x5b: {  	s3 =	sadd.s32 $0x8, s3;
	[sflag:s1] =	ssyncset.done $0x0;
	(pc) =	sbr.rel @p0 .LBB2_2-.Ltmp0, $4  }
0x5c: {  	s10 =	sadd.s32 s2, s10;
	s9 =	sadd.s32 $0x680, s12;
	[sflag:s1] =	ssyncadd.s32 $0xFFFFC000  }
0x5d: {  	[hbm4b:s10+s30] =	stream.strided.scatter [tilespmem:s21], [sflag:$0x4], $0x4000, s13, s30, $0x38;
	[tilespmem:$0xE400] =	vst v63  }
0x5e: {  	_ =	swait.ge [sflag:s0], $0x4000  }
0x5f: {  	s12 =	sadd.s32 $0x700, s12;
	[sflag:s0] =	ssyncset.done $0x0  }
0x60: {  	[sflag:s0] =	ssyncadd.s32 $0xFFFFC000  }
0x61: {  	[tilespmem:s21], [sflag:$0x2] =	stream.indirect.gather [hbm4b:s4+s13], $0x20, s8, s13, $0xb8;
	[tilespmem:$0xE400] =	vst v63  }
0x62: {  	s17 =	simm.s32 $0xB400  }
0x63: {  	[tilespmem:s17], [sflag:$0x2] =	stream.indirect.gather [hbm4b:s4+s13], $0x20, s9, s13, $0xb8;
	[tilespmem:$0xE400] =	vst v63  }
0x64: {  	s10 =	simm.s32 $0xC400  }
0x65: {  	[tilespmem:s10], [sflag:$0x2] =	stream.indirect.gather [hbm4b:s4+s13], $0x20, s12, s13, $0xb8;
	[tilespmem:$0xE400] =	vst v63  }
0x66: {  	s11 =	simm.s32 $0xD400;
	s19 =	sand.u32 $0x60, s3  }
0x67: {  	[tilespmem:s11], [sflag:$0x2] =	stream.indirect.gather [hbm4b:s4+s13], $0x20, s6, s13, $0xb8;
	[tilespmem:$0xE400] =	vst v63  }
0x68: {  	s6 =	sor.u32 s19, s26;
	_ =	swait.ge [sflag:s29], $0x4000  }
0x69: {  	s6 =	sshrl.u32 s6, $0x3;
	[sflag:s29] =	ssyncset.done $0x0  }
0x6a: {  	s6 =	sadd.s32 s2, s6;
	[sflag:s29] =	ssyncadd.s32 $0xFFFFC000  }
0x6b: {  	[hbm4b:s6+s30] =	stream.strided.scatter [tilespmem:s14], [sflag:$0x3], $0x4000, s13, s30, $0x38;
	[tilespmem:$0xE400] =	vst v63  }
0x6c: {  	_ =	swait.ge [sflag:s31], $0x4000  }
0x6d: {  	s20 =	sshra.s32 s20, $0x2;
	[sflag:s31] =	ssyncset.done $0x0  }
0x6e: {  	s7 =	sadd.s32 $0x400, s20;
	[sflag:s31] =	ssyncadd.s32 $0xFFFFC000  }
0x6f: {  	[tilespmem:s14], [sflag:$0x1] =	stream.indirect.gather [hbm4b:s4+s13], $0x20, s7, s13, $0xb8;
	[tilespmem:$0xE400] =	vst v63  }
0x70: {  	s23 =	simm.s32 $0x7400;
	s5 =	sand.u32 $0x70000, s5;
	s22 =	sadd.s32 $0x480, s20  }
0x71: {  	[tilespmem:s23], [sflag:$0x1] =	stream.indirect.gather [hbm4b:s4+s13], $0x20, s22, s13, $0xb8;
	[tilespmem:$0xE400] =	vst v63  }
0x72: {  	s24 =	sadd.s32 $0x500, s20;
	s12 =	sadd.s32 $0x4, s3;
	s26 =	simm.s32 $0x8400  }
0x73: {  	[tilespmem:s26], [sflag:$0x1] =	stream.indirect.gather [hbm4b:s4+s13], $0x20, s24, s13, $0xb8;
	[tilespmem:$0xE400] =	vst v63  }
0x74: {  	s5 =	sor.u32 s5, s18;
	s9 =	sadd.s32 $0x580, s20;
	s3 =	sand.u32 $0x60, s12  }
0x75: {  	[tilespmem:s25], [sflag:$0x1] =	stream.indirect.gather [hbm4b:s4+s13], $0x20, s9, s13, $0xb8;
	[tilespmem:$0xE400] =	vst v63  }
0x76: {  	s3 =	sor.u32 s3, s5;
	_ =	swait.ge [sflag:s1], $0x4000  }
0x77: {  	s3 =	sshrl.u32 s3, $0x3;
	[sflag:s1] =	ssyncset.done $0x0  }
0x78: {  	s3 =	sadd.s32 s2, s3;
	[sflag:s1] =	ssyncadd.s32 $0xFFFFC000  }
0x79: {  	[hbm4b:s3+s30] =	stream.strided.scatter [tilespmem:s21], [sflag:$0x4], $0x4000, s13, s30, $0x38;
	[tilespmem:$0xE400] =	vst v63  }
0x7a: {  	_ =	swait.ge [sflag:s0], $0x4000  }
0x7b: {  	[sflag:s0] =	ssyncset.done $0x0  }
0x7c: {  	s15 =	sadd.s32 $0x600, s20;
	[sflag:s0] =	ssyncadd.s32 $0xFFFFC000  }
0x7d: {  	[tilespmem:s21], [sflag:$0x2] =	stream.indirect.gather [hbm4b:s4+s13], $0x20, s15, s13, $0xb8;
	[tilespmem:$0xE400] =	vst v63  }
0x7e: {  	s16 =	sadd.s32 $0x680, s20  }
0x7f: {  	[tilespmem:s17], [sflag:$0x2] =	stream.indirect.gather [hbm4b:s4+s13], $0x20, s16, s13, $0xb8;
	[tilespmem:$0xE400] =	vst v63  }
0x80: {  	s17 =	sadd.s32 $0x700, s20  }
0x81: {  	[tilespmem:s10], [sflag:$0x2] =	stream.indirect.gather [hbm4b:s4+s13], $0x20, s17, s13, $0xb8;
	[tilespmem:$0xE400] =	vst v63  }
0x82: {  	s18 =	sadd.s32 $0x780, s20  }
0x83: {  	[tilespmem:s11], [sflag:$0x2] =	stream.indirect.gather [hbm4b:s4+s13], $0x20, s18, s13, $0xb8;
	[tilespmem:$0xE400] =	vst v63  }
0x84: {  	_ =	swait.ge [sflag:s29], $0x4000  }
0x85: {  	[sflag:s29] =	ssyncset.done $0x0  }
0x86: {  	s20 =	rddreg [dreg:$0x4];
	[sflag:s29] =	ssyncadd.s32 $0xFFFFC000  }
0x87: {  	[hbm4b:s20+s30] =	stream.strided.scatter [tilespmem:s14], [sflag:$0x3], $0x4000, s13, s30, $0x38;
	[tilespmem:$0xE400] =	vst v63  }
0x88: {  	_ =	swait.ge [sflag:s31], $0x4000  }
0x89: {  	[sflag:s31] =	ssyncset.done $0x0  }
0x8a: {  	[sflag:s31] =	ssyncadd.s32 $0xFFFFC000  }
0x8b: {  	_ =	swait.ge [sflag:s1], $0x4000  }
0x8c: {  	[sflag:s1] =	ssyncset.done $0x0  }
0x8d: {  	s22 =	rddreg [dreg:$0x5];
	[sflag:s1] =	ssyncadd.s32 $0xFFFFC000  }
0x8e: {  	[hbm4b:s22+s30] =	stream.strided.scatter [tilespmem:s21], [sflag:$0x4], $0x4000, s13, s30, $0x38;
	[tilespmem:$0xE400] =	vst v63  }
0x8f: {  	_ =	swait.ge [sflag:s0], $0x4000  }
0x90: {  	s24 =	rddreg [dreg:$0xa]  }
0x91: {  	s26 =	rddreg [dreg:$0x6];
	s5 =	sadd.s32 $0x1, s24  }
0x92: {  	p0 =	sne.s32 s5, s26  }
.Ltmp1:
0x93: {  	_ = 	snop;
	(pc) =	sbr.rel @p0 .LBB2_1-.Ltmp1, $3  }
0x94: {  	_ =	sdelay $0x1  }
0x95: {  	s28 =	simm.s32 $0xB400;
	[sflag:s0] =	ssyncset.done $0x0  }
0x96: {  	s19 =	simm.s32 $0xC400;
	s23 =	simm.s32 $0xD400;
	[sflag:s0] =	ssyncadd.s32 $0xFFFFC000  }
0x97: {  	_ =	sfence.sel $0x180000  }
0x98: {  	[bflag:$0x0] =	sbarrier.arrive $0xFFFF  }
0x99: {  	_ =	strace $0x9000004A  }
0x9a: {  	s0 =	stileid.u32;
	[bflag:$0x2] =	sbarrier.arrive $0xFFFF  }
0x9b: {  	p0 =	sne.s32 s0, $0x0;
	s0 =	rddreg [dreg:$0x2]  }
0x9c: {  	s0 =	sadd.s32 @!p0 $0x100000, s0  }
0x9d: {  	[sflag:s0] =	ssyncadd.tile.s32 @!p0 $0x1;
	_ =	shalt  }
.Lfunc_end2:
_tile_overlayer_lowered:
.L_overlay_start_2:
0x9e: {  	(tag) =	ssettag $0x2  }
0x9f: {  	s0 =	rddreg [dreg:$0x0];
	s2 =	stileid.u32  }
0xa0: {  	s1 =	rddreg [dreg:$0x1];
	p0 =	sne.s32 s2, $0x0  }
0xa1: {  	s3 =	rddreg [dreg:$0x2];
	[bflag:$0x3] =	sbarrier.arrive $0xFFFF;
	s2 =	simm.s32 @!p0 $0x1C05  }
0xa2: {  	[timem:s3], [sflag:s2] =	dma.local @!p0 [hbm:s0], s1  }
0xa3: {  	s0 =	simm.s32 @!p0 $0x5  }
0xa4: {  	_ =	swait.ge @!p0 [sflag:s0], s1  }
0xa5: {  	s1 =	ssub.s32 @!p0 $0x0, s1;
	[sflag:s0] =	ssyncset.done @!p0 $0x0  }
0xa6: {  	[sflag:s0] =	ssyncadd.s32 @!p0 s1  }
0xa7: {  	[bflag:$0x3] =	sbarrier.arrive $0xFFFF  }
0xa8: {  	_ =	shalt  }

</sc_bundles>
